<compile_context>
chip_gen: v7x
topology: tpu7x:2x2x1
jax: 0.10.2.dev20260603
libtpu: 0.0.44.dev20260713+nightly
codegen_flags: <defaults>
</compile_context>

<pallas_src>
import functools

import jax
import jax.numpy as jnp
from jax import lax
from jax.experimental import pallas as pl
from jax.experimental.pallas import tpu as pltpu
from jax.experimental.pallas import tpu_sc as plsc

N = 10000
E = 320000
FEAT = 128
EMB = 32
G = 64
NC, NS = 2, 16
NW = NC * NS
PADN = 10240
ROWS_PER_TILE = PADN // NS
HB = 128
HW = 8
NBLK_TOTAL = E // HB
NBLK_BASE = NBLK_TOTAL // NW
NBLK_REM = NBLK_TOTAL % NW

DEPTH = 3
NGRP = NBLK_BASE // DEPTH


def _sc_hist_body(dst_hbm, ones_hbm, zcol_hbm, out_hbm,
                  idx0, ones_v, zbuf, acc):
    c = lax.axis_index("c")
    s = lax.axis_index("s")
    w = c * NS + s
    pltpu.sync_copy(zcol_hbm.at[pl.ds(s * ROWS_PER_TILE, ROWS_PER_TILE)], zbuf)
    pltpu.sync_copy(zbuf, acc.at[pl.ds(s * ROWS_PER_TILE, ROWS_PER_TILE)])
    pltpu.sync_copy(ones_hbm, ones_v)
    plsc.subcore_barrier()

    def off(j):
        return (w + NW * j) * HB

    nblk = NBLK_BASE + jnp.where(w < NBLK_REM, 1, 0)

    def hblk(j, carry):
        pltpu.sync_copy(dst_hbm.at[pl.ds(off(j), HB)], idx0)
        pltpu.sync_copy(ones_v, acc.at[idx0], add=True)
        return carry

    lax.fori_loop(0, nblk, hblk, 0)
    plsc.subcore_barrier()

    @pl.when(s == 0)
    def _():
        pltpu.sync_copy(acc, out_hbm.at[c])


def _sc_agg_body(g_hbm, src_hbm, dst_hbm, zrows_hbm, out_hbm,
                 ia0, ia1, ia2, id0, id1, id2, r0, r1, r2,
                 zbuf, acc, sg0, sg1, sg2):
    c = lax.axis_index("c")
    s = lax.axis_index("s")
    w = c * NS + s
    ias = (ia0, ia1, ia2)
    ids = (id0, id1, id2)
    rows = (r0, r1, r2)
    sgs = (sg0, sg1, sg2)
    pltpu.sync_copy(zrows_hbm.at[pl.ds(s * ROWS_PER_TILE, ROWS_PER_TILE)], zbuf)
    pltpu.sync_copy(zbuf, acc.at[pl.ds(s * ROWS_PER_TILE, ROWS_PER_TILE)])
    plsc.subcore_barrier()

    def off(j):
        return (w + NW * j) * HB

    def start(j, p):
        pltpu.sync_copy(src_hbm.at[pl.ds(off(j), HB)], ias[p])
        pltpu.sync_copy(dst_hbm.at[pl.ds(off(j), HB)], ids[p])
        pltpu.async_copy(g_hbm.at[ias[p]], rows[p], sgs[p])

    def finish(j, p):
        pltpu.make_async_copy(g_hbm.at[ias[p]], rows[p], sgs[p]).wait()
        pltpu.sync_copy(rows[p], acc.at[ids[p]], add=True)

    for p in range(DEPTH):
        start(p, p)

    def group(gi, carry):
        for p in range(DEPTH):
            j = gi * DEPTH + p
            finish(j, p)
            start(j + DEPTH, p)
        return carry

    lax.fori_loop(0, NGRP - 1, group, 0)
    for p in range(DEPTH):
        finish((NGRP - 1) * DEPTH + p, p)

    def atail(j, carry):
        start(j, 0)
        finish(j, 0)
        return carry

    nblk = NBLK_BASE + jnp.where(w < NBLK_REM, 1, 0)
    lax.fori_loop(NBLK_BASE, nblk, atail, 0)

    plsc.subcore_barrier()
    pltpu.sync_copy(acc.at[pl.ds(s * ROWS_PER_TILE, ROWS_PER_TILE)], out_hbm.at[w])


@functools.lru_cache(maxsize=1)
def _sc_kernels():
    mesh = plsc.VectorSubcoreMesh(core_axis_name="c", subcore_axis_name="s",
                                  num_cores=NC, num_subcores=NS)
    params = pltpu.CompilerParams(use_tc_tiling_on_sc=False)
    sc_hist = pl.kernel(
        _sc_hist_body,
        out_type=jax.ShapeDtypeStruct((NC, PADN, HW), jnp.float32),
        mesh=mesh,
        compiler_params=params,
        scratch_types=[
            pltpu.VMEM((HB,), jnp.int32),
            pltpu.VMEM((HB, HW), jnp.float32),
            pltpu.VMEM((ROWS_PER_TILE, HW), jnp.float32),
            pltpu.VMEM_SHARED((PADN, HW), jnp.float32),
        ],
    )
    sc_agg = pl.kernel(
        _sc_agg_body,
        out_type=jax.ShapeDtypeStruct((NW, ROWS_PER_TILE, EMB), jnp.float32),
        mesh=mesh,
        compiler_params=params,
        scratch_types=(
            [pltpu.VMEM((HB,), jnp.int32)] * 3
            + [pltpu.VMEM((HB,), jnp.int32)] * 3
            + [pltpu.VMEM((HB, EMB), jnp.float32)] * 3
            + [pltpu.VMEM((ROWS_PER_TILE, EMB), jnp.float32),
               pltpu.VMEM_SHARED((PADN, EMB), jnp.float32)]
            + [pltpu.SemaphoreType.DMA] * 3
        ),
    )
    return sc_hist, sc_agg


def _tcmm_body(x_ref, w1_ref, h_ref):
    h_ref[...] = jnp.dot(x_ref[...], w1_ref[...],
                         preferred_element_type=jnp.float32)


_tcmm = pl.pallas_call(
    _tcmm_body,
    out_shape=jax.ShapeDtypeStruct((N, EMB), jnp.float32),
)


def _tcscale_body(hist_ref, h_ref, g_ref, dinv_ref):
    hist = hist_ref[...]
    deg = hist[0] + hist[1] + 1.0
    dinv = lax.rsqrt(deg)[:, None]
    g_ref[...] = h_ref[...] * dinv
    dinv_ref[...] = dinv


_tcscale = pl.pallas_call(
    _tcscale_body,
    out_shape=[
        jax.ShapeDtypeStruct((N, EMB), jnp.float32),
        jax.ShapeDtypeStruct((N, 1), jnp.float32),
    ],
)


def _tcb_body(agg_ref, g_ref, dinv_ref, batch_ref, b1_ref, attn_ref,
              wout_ref, bout_ref, out_ref):
    agg = agg_ref[...]
    g = g_ref[...]
    dinv = dinv_ref[...]
    total = agg[0] + agg[1] + g
    out = jnp.maximum(dinv * total + b1_ref[...], 0.0)

    attn = attn_ref[...]
    nrm = jnp.sqrt(jnp.sum(attn * attn))
    score = jnp.dot(out, attn, preferred_element_type=jnp.float32) / nrm
    v = jnp.dot(out, wout_ref[...], preferred_element_type=jnp.float32)
    u = v * jnp.maximum(jnp.tanh(score), 0.0)

    ui = lax.bitcast_convert_type(score, jnp.uint32)
    key = jnp.where(ui >= jnp.uint32(0x80000000), ~ui,
                    ui | jnp.uint32(0x80000000))

    gid = lax.broadcasted_iota(jnp.int32, (1, G), 1)
    bm = batch_ref[...] == gid
    fone = jnp.float32(1.0)
    counts = jnp.sum(jnp.where(bm, fone, 0.0), axis=0, keepdims=True)
    k = jnp.ceil(jnp.float32(0.8) * counts)
    denom = jnp.maximum(k, 1.0)

    def _sel_bit(i, T):
        cand = T | (jnp.uint32(0x80000000) >> i)
        pred = bm & (key >= cand)
        cnt = jnp.sum(jnp.where(pred, fone, 0.0), axis=0, keepdims=True)
        return jnp.where(cnt >= k, cand, T)

    T = lax.fori_loop(0, 32, _sel_bit, jnp.zeros((1, G), jnp.uint32))

    strictly = bm & (key > T)
    cnt_gt = jnp.sum(jnp.where(strictly, fone, 0.0), axis=0, keepdims=True)
    m = k - cnt_gt
    tie = bm & (key == T)
    nidx = lax.broadcasted_iota(jnp.uint32, (N, 1), 0)

    def _tie_bit(i, V):
        cand = V | (jnp.uint32(1 << 13) >> i)
        c = jnp.sum(jnp.where(tie & (nidx < cand), fone, 0.0),
                    axis=0, keepdims=True)
        return jnp.where(c < m, cand, V)

    V = lax.fori_loop(0, 14, _tie_bit, jnp.zeros((1, G), jnp.uint32))

    sel = strictly | (tie & (nidx <= V))
    ssum = jnp.sum(jnp.where(sel, u, 0.0), axis=0, keepdims=True)
    out_ref[...] = ssum / denom + bout_ref[...]


_tcb = pl.pallas_call(
    _tcb_body,
    out_shape=jax.ShapeDtypeStruct((1, G), jnp.float32),
)


def kernel(x, edge_index, batch_index, W1, b1, attn, W_out, b_out):
    src = edge_index[0]
    dst = edge_index[1]
    ones_col = jnp.ones((HB, HW), jnp.float32)
    zcol = jnp.zeros((PADN, HW), jnp.float32)
    zrows = jnp.zeros((PADN, EMB), jnp.float32)

    sc_hist, sc_agg = _sc_kernels()
    h = _tcmm(x, W1)
    histp = sc_hist(dst, ones_col, zcol)
    hist2 = histp[:, :N, 0]
    g, dinv = _tcscale(hist2, h)
    aggp = sc_agg(g, src, dst, zrows)
    agg2 = aggp.reshape(NC, PADN, EMB)[:, :N]
    ans = _tcb(agg2, g, dinv, batch_index.reshape(N, 1).astype(jnp.int32),
               b1.reshape(1, EMB), attn.reshape(EMB, 1), W_out,
               b_out.reshape(1, 1))
    return ans.reshape(G, 1)

# --- scband reference (transcript-rebuilt; emitter-appended) ---
"""Pipeline reference for scband-gcn-pool-layers-39513699123566 (READ-ONLY COPY).

The authoritative reference and input builder live on the scoring server;
editing this copy changes nothing except your own understanding.
"""

import jax, jax.numpy as jnp
import numpy as np

NUM_NODES = 10000
NUM_EDGES = 320000
FEAT = 128
EMB = 32
NUM_GRAPHS = 64
RATIO = 0.8


def setup_inputs(seed: int = 0):
    key = jax.random.key(seed)
    ks = jax.random.split(key, 8)
    x = jax.random.normal(ks[0], (NUM_NODES, FEAT), dtype=jnp.float32)
    edge_index = jax.random.randint(ks[1], (2, NUM_EDGES), 0, NUM_NODES, dtype=jnp.int32)
    batch_index = jnp.sort(jax.random.randint(ks[2], (NUM_NODES,), 0, NUM_GRAPHS, dtype=jnp.int32))
    W1 = jax.random.normal(ks[3], (FEAT, EMB), dtype=jnp.float32) / np.sqrt(FEAT)
    b1 = jnp.zeros((EMB,), dtype=jnp.float32)
    attn = jax.random.normal(ks[4], (EMB,), dtype=jnp.float32) / np.sqrt(EMB)
    W_out = jax.random.normal(ks[5], (EMB, 1), dtype=jnp.float32) / np.sqrt(EMB)
    b_out = jnp.zeros((1,), dtype=jnp.float32)
    return {"x": x, "edge_index": edge_index, "batch_index": batch_index,
            "W1": W1, "b1": b1, "attn": attn, "W_out": W_out, "b_out": b_out}


def _pool_plan(batch_index):
    counts = jax.ops.segment_sum(
        jnp.ones((batch_index.shape[0],), jnp.int32), batch_index,
        num_segments=NUM_GRAPHS)
    k = jnp.ceil(RATIO * counts.astype(jnp.float32)).astype(jnp.int32)
    denom = jnp.maximum(k, 1).astype(jnp.float32)
    return counts, k, denom


def reference(x, edge_index, batch_index, W1, b1, attn, W_out, b_out):
    N = x.shape[0]
    # --- GCNConv(feature_size -> 32) with symmetric normalization + self loops ---
    loop = jnp.arange(N, dtype=edge_index.dtype)
    src = jnp.concatenate([edge_index[0], loop])
    dst = jnp.concatenate([edge_index[1], loop])
    deg = jax.ops.segment_sum(jnp.ones(src.shape[0], x.dtype), dst, num_segments=N)
    dinv = jnp.where(deg > 0, jax.lax.rsqrt(deg), 0.0)
    norm = dinv[src] * dinv[dst]
    h = x @ W1
    out = jax.ops.segment_sum(h[src] * norm[:, None], dst, num_segments=N) + b1
    out = jax.nn.relu(out)
    # --- TopKPooling(32, ratio=0.8) ---
    score = (out @ attn) / jnp.linalg.norm(attn)
    counts, k, denom = _pool_plan(batch_index)
    idx1 = jnp.argsort(-score)                      # stable, descending score
    order = idx1[jnp.argsort(batch_index[idx1])]    # stable group by graph, desc score within
    offsets = jnp.concatenate([jnp.zeros((1,), counts.dtype), jnp.cumsum(counts)[:-1]])
    gs = batch_index[order]
    rank = jnp.arange(N, dtype=offsets.dtype) - offsets[gs]
    keep = rank < k[gs]
    xp = out[order] * jnp.tanh(score[order])[:, None]
    xp = jax.nn.relu(xp)
    xp = jnp.where(keep[:, None], xp, jnp.zeros_like(xp))
    # --- global mean pool (gap) ---
    summed = jax.ops.segment_sum(xp, gs, num_segments=NUM_GRAPHS)
    mean = summed / denom[:, None]
    # --- output Linear(32 -> 1) ---
    return mean @ W_out + b_out

if __name__ == "__main__":
    import jax
    _d = setup_inputs()
    print(jax.jit(kernel)(*tuple(_d.values())))

</pallas_src>

<mosaic_0001>
#map = affine_map<(d0, d1) -> (0)>
#map1 = affine_map<(d0, d1) -> (0, 0)>
#map2 = affine_map<(d0, d1) -> (0, 0, 0)>
module attributes {stable_mosaic.version = 14 : i64} {
  func.func @_sc_hist_body(%arg0: i32, %arg1: i32, %arg2: memref<320000xi32, #tpu.memory_space<hbm>>, %arg3: memref<128x8xf32, #tpu.memory_space<hbm>>, %arg4: memref<10240x8xf32, #tpu.memory_space<hbm>>, %arg5: memref<2x10240x8xf32, #tpu.memory_space<hbm>>, %arg6: memref<128xi32, #tpu.memory_space<vmem>>, %arg7: memref<128x8xf32, #tpu.memory_space<vmem>>, %arg8: memref<640x8xf32, #tpu.memory_space<vmem>>, %arg9: memref<10240x8xf32, #tpu.memory_space<vmem_shared>>) attributes {dimension_semantics = [#tpu.dimension_semantics<core_parallel>, #tpu.dimension_semantics<subcore_parallel>], iteration_bounds = array<i64: 2, 16>, scalar_prefetch = 0 : i64, scratch_operands = 4 : i64, tpu.core_type = #tpu.core_type<sc_vector_subcore>, window_params = [{transform_indices = #map}, {transform_indices = #map1}, {transform_indices = #map1}, {transform_indices = #map2}]} {
    %mul3A = arith.constant 16 : i32
    %mul3A_0 = arith.muli %arg0, %mul3A : i32
    %add3A = arith.addi %mul3A_0, %arg1 : i32
    %mul3A_1 = arith.constant 640 : i32
    %mul3A_2 = arith.muli %arg1, %mul3A_1 : i32
    "tpu.region"() ({
      %run_scoped3A = tpu.sem_alloc : memref<!tpu.dma_semaphore, #tpu.memory_space<semaphore_mem>>
      %dma_start3A = arith.constant 0 : i32
      %dma_start3A_21 = tpu.memref_slice %arg4[%mul3A_2, %dma_start3A] : memref<10240x8xf32, #tpu.memory_space<hbm>> -> memref<640x8xf32, #tpu.memory_space<hbm>>
      %dma_start3A_22 = arith.constant 0 : i32
      %dma_start3A_23 = tpu.memref_slice %arg4[%mul3A_2, %dma_start3A_22] : memref<10240x8xf32, #tpu.memory_space<hbm>> -> memref<640x8xf32, #tpu.memory_space<hbm>>
      tpu.enqueue_dma source(%dma_start3A_23 : memref<640x8xf32, #tpu.memory_space<hbm>>) target(%arg8 : memref<640x8xf32, #tpu.memory_space<vmem>>) target_semaphore(%run_scoped3A : memref<!tpu.dma_semaphore, #tpu.memory_space<semaphore_mem>>)
      %dma_wait3A = arith.constant 0 : i32
      %dma_wait3A_24 = tpu.memref_slice %arg4[%mul3A_2, %dma_wait3A] : memref<10240x8xf32, #tpu.memory_space<hbm>> -> memref<640x8xf32, #tpu.memory_space<hbm>>
      %dma_wait3A_25 = arith.constant 0 : i32
      %dma_wait3A_26 = tpu.memref_slice %arg4[%mul3A_2, %dma_wait3A_25] : memref<10240x8xf32, #tpu.memory_space<hbm>> -> memref<640x8xf32, #tpu.memory_space<hbm>>
      tpu.wait_dma2 semaphore(%run_scoped3A : memref<!tpu.dma_semaphore, #tpu.memory_space<semaphore_mem>>) src(%dma_wait3A_26 : memref<640x8xf32, #tpu.memory_space<hbm>>) dst(%arg8 : memref<640x8xf32, #tpu.memory_space<vmem>>)
      tpu.yield
    }) : () -> ()
    %mul3A_3 = arith.constant 640 : i32
    %mul3A_4 = arith.muli %arg1, %mul3A_3 : i32
    "tpu.region"() ({
      %run_scoped3A = tpu.sem_alloc : memref<!tpu.dma_semaphore, #tpu.memory_space<semaphore_mem>>
      %dma_start3A = arith.constant 0 : i32
      %dma_start3A_21 = tpu.memref_slice %arg9[%mul3A_4, %dma_start3A] : memref<10240x8xf32, #tpu.memory_space<vmem_shared>> -> memref<640x8xf32, #tpu.memory_space<vmem_shared>>
      %dma_start3A_22 = arith.constant 0 : i32
      %dma_start3A_23 = tpu.memref_slice %arg9[%mul3A_4, %dma_start3A_22] : memref<10240x8xf32, #tpu.memory_space<vmem_shared>> -> memref<640x8xf32, #tpu.memory_space<vmem_shared>>
      tpu.enqueue_dma source(%arg8 : memref<640x8xf32, #tpu.memory_space<vmem>>) target(%dma_start3A_23 : memref<640x8xf32, #tpu.memory_space<vmem_shared>>) target_semaphore(%run_scoped3A : memref<!tpu.dma_semaphore, #tpu.memory_space<semaphore_mem>>)
      %dma_wait3A = arith.constant 0 : i32
      %dma_wait3A_24 = tpu.memref_slice %arg9[%mul3A_4, %dma_wait3A] : memref<10240x8xf32, #tpu.memory_space<vmem_shared>> -> memref<640x8xf32, #tpu.memory_space<vmem_shared>>
      %dma_wait3A_25 = arith.constant 0 : i32
      %dma_wait3A_26 = tpu.memref_slice %arg9[%mul3A_4, %dma_wait3A_25] : memref<10240x8xf32, #tpu.memory_space<vmem_shared>> -> memref<640x8xf32, #tpu.memory_space<vmem_shared>>
      tpu.wait_dma2 semaphore(%run_scoped3A : memref<!tpu.dma_semaphore, #tpu.memory_space<semaphore_mem>>) src(%arg8 : memref<640x8xf32, #tpu.memory_space<vmem>>) dst(%dma_wait3A_26 : memref<640x8xf32, #tpu.memory_space<vmem_shared>>)
      tpu.yield
    }) : () -> ()
    "tpu.region"() ({
      %run_scoped3A = tpu.sem_alloc : memref<!tpu.dma_semaphore, #tpu.memory_space<semaphore_mem>>
      tpu.enqueue_dma source(%arg3 : memref<128x8xf32, #tpu.memory_space<hbm>>) target(%arg7 : memref<128x8xf32, #tpu.memory_space<vmem>>) target_semaphore(%run_scoped3A : memref<!tpu.dma_semaphore, #tpu.memory_space<semaphore_mem>>)
      tpu.wait_dma2 semaphore(%run_scoped3A : memref<!tpu.dma_semaphore, #tpu.memory_space<semaphore_mem>>) src(%arg3 : memref<128x8xf32, #tpu.memory_space<hbm>>) dst(%arg7 : memref<128x8xf32, #tpu.memory_space<vmem>>)
      tpu.yield
    }) : () -> ()
    %barrier3A = arith.constant 0 : index
    tpu.barrier barrier_id(%barrier3A)
    %lt3A = arith.constant 4 : i32
    %lt3A_5 = arith.cmpi slt, %add3A, %lt3A : i32
    %jit3A = arith.constant 1 : i32
    %jit3A_6 = arith.constant 0 : i32
    %select_n3A = arith.select %lt3A_5, %jit3A, %jit3A_6 : i32
    %add3A_7 = arith.constant 78 : i32
    %add3A_8 = arith.addi %add3A_7, %select_n3A : i32
    %while3A = arith.constant 0 : i32
    %while3A_9 = arith.constant 0 : i32
    %while3A_10 = arith.subi %add3A_8, %while3A_9 : i32
    %while3A_11 = arith.addi %while3A_9, %while3A_10 : i32
    %while3A_12 = arith.constant 1 : i32
    %while3A_13 = arith.divsi %while3A_10, %while3A_12 : i32
    %while3A_14 = arith.muli %while3A_13, %while3A_12 : i32
    %while3A_15 = arith.addi %while3A_9, %while3A_14 : i32
    %while3A_16 = arith.constant 1 : i32
    scf.for %while3A_21 = %while3A_9 to %while3A_15 step %while3A_16  : i32 {
      %mul3A_22 = arith.constant 32 : i32
      %mul3A_23 = arith.muli %mul3A_22, %while3A_21 : i32
      %add3A_24 = arith.addi %add3A, %mul3A_23 : i32
      %mul3A_25 = arith.constant 128 : i32
      %mul3A_26 = arith.muli %add3A_24, %mul3A_25 : i32
      "tpu.region"() ({
        %run_scoped3A = tpu.sem_alloc : memref<!tpu.dma_semaphore, #tpu.memory_space<semaphore_mem>>
        %dma_start3A = tpu.memref_slice %arg2[%mul3A_26] : memref<320000xi32, #tpu.memory_space<hbm>> -> memref<128xi32, #tpu.memory_space<hbm>>
        %dma_start3A_27 = tpu.memref_slice %arg2[%mul3A_26] : memref<320000xi32, #tpu.memory_space<hbm>> -> memref<128xi32, #tpu.memory_space<hbm>>
        tpu.enqueue_dma source(%dma_start3A_27 : memref<128xi32, #tpu.memory_space<hbm>>) target(%arg6 : memref<128xi32, #tpu.memory_space<vmem>>) target_semaphore(%run_scoped3A : memref<!tpu.dma_semaphore, #tpu.memory_space<semaphore_mem>>)
        %dma_wait3A = tpu.memref_slice %arg2[%mul3A_26] : memref<320000xi32, #tpu.memory_space<hbm>> -> memref<128xi32, #tpu.memory_space<hbm>>
        %dma_wait3A_28 = tpu.memref_slice %arg2[%mul3A_26] : memref<320000xi32, #tpu.memory_space<hbm>> -> memref<128xi32, #tpu.memory_space<hbm>>
        tpu.wait_dma2 semaphore(%run_scoped3A : memref<!tpu.dma_semaphore, #tpu.memory_space<semaphore_mem>>) src(%dma_wait3A_28 : memref<128xi32, #tpu.memory_space<hbm>>) dst(%arg6 : memref<128xi32, #tpu.memory_space<vmem>>)
        tpu.yield
      }) : () -> ()
      "tpu.region"() ({
        %run_scoped3A = tpu.sem_alloc : memref<!tpu.dma_semaphore, #tpu.memory_space<semaphore_mem>>
        %dma_start3A = arith.constant 0 : i32
        %dma_start3A_27 = arith.constant 0 : i32
        %dma_start3A_28 = tpu.memref_slice %arg9[%dma_start3A, %dma_start3A_27] : memref<10240x8xf32, #tpu.memory_space<vmem_shared>> -> memref<10240x8xf32, #tpu.memory_space<vmem_shared>>
        tpu.enqueue_indirect_dma source(%arg7 : memref<128x8xf32, #tpu.memory_space<vmem>>) target(%dma_start3A_28 : memref<10240x8xf32, #tpu.memory_space<vmem_shared>>) offsets(%arg6 : memref<128xi32, #tpu.memory_space<vmem>>) semaphore(%run_scoped3A : memref<!tpu.dma_semaphore, #tpu.memory_space<semaphore_mem>>) {add = true}
        %dma_wait3A = arith.constant 0 : i32
        %dma_wait3A_29 = arith.constant 0 : i32
        %dma_wait3A_30 = tpu.memref_slice %arg9[%dma_wait3A, %dma_wait3A_29] : memref<10240x8xf32, #tpu.memory_space<vmem_shared>> -> memref<10240x8xf32, #tpu.memory_space<vmem_shared>>
        tpu.wait_indirect_dma semaphore(%run_scoped3A : memref<!tpu.dma_semaphore, #tpu.memory_space<semaphore_mem>>) src(%arg7 : memref<128x8xf32, #tpu.memory_space<vmem>>) dst(%dma_wait3A_30 : memref<10240x8xf32, #tpu.memory_space<vmem_shared>>)
        tpu.yield
      }) : () -> ()
    }
    %while3A_17 = arith.constant 1 : i32
    scf.for %while3A_21 = %while3A_15 to %while3A_11 step %while3A_17  : i32 {
      %mul3A_22 = arith.constant 32 : i32
      %mul3A_23 = arith.muli %mul3A_22, %while3A_21 : i32
      %add3A_24 = arith.addi %add3A, %mul3A_23 : i32
      %mul3A_25 = arith.constant 128 : i32
      %mul3A_26 = arith.muli %add3A_24, %mul3A_25 : i32
      "tpu.region"() ({
        %run_scoped3A = tpu.sem_alloc : memref<!tpu.dma_semaphore, #tpu.memory_space<semaphore_mem>>
        %dma_start3A = tpu.memref_slice %arg2[%mul3A_26] : memref<320000xi32, #tpu.memory_space<hbm>> -> memref<128xi32, #tpu.memory_space<hbm>>
        %dma_start3A_27 = tpu.memref_slice %arg2[%mul3A_26] : memref<320000xi32, #tpu.memory_space<hbm>> -> memref<128xi32, #tpu.memory_space<hbm>>
        tpu.enqueue_dma source(%dma_start3A_27 : memref<128xi32, #tpu.memory_space<hbm>>) target(%arg6 : memref<128xi32, #tpu.memory_space<vmem>>) target_semaphore(%run_scoped3A : memref<!tpu.dma_semaphore, #tpu.memory_space<semaphore_mem>>)
        %dma_wait3A = tpu.memref_slice %arg2[%mul3A_26] : memref<320000xi32, #tpu.memory_space<hbm>> -> memref<128xi32, #tpu.memory_space<hbm>>
        %dma_wait3A_28 = tpu.memref_slice %arg2[%mul3A_26] : memref<320000xi32, #tpu.memory_space<hbm>> -> memref<128xi32, #tpu.memory_space<hbm>>
        tpu.wait_dma2 semaphore(%run_scoped3A : memref<!tpu.dma_semaphore, #tpu.memory_space<semaphore_mem>>) src(%dma_wait3A_28 : memref<128xi32, #tpu.memory_space<hbm>>) dst(%arg6 : memref<128xi32, #tpu.memory_space<vmem>>)
        tpu.yield
      }) : () -> ()
      "tpu.region"() ({
        %run_scoped3A = tpu.sem_alloc : memref<!tpu.dma_semaphore, #tpu.memory_space<semaphore_mem>>
        %dma_start3A = arith.constant 0 : i32
        %dma_start3A_27 = arith.constant 0 : i32
        %dma_start3A_28 = tpu.memref_slice %arg9[%dma_start3A, %dma_start3A_27] : memref<10240x8xf32, #tpu.memory_space<vmem_shared>> -> memref<10240x8xf32, #tpu.memory_space<vmem_shared>>
        tpu.enqueue_indirect_dma source(%arg7 : memref<128x8xf32, #tpu.memory_space<vmem>>) target(%dma_start3A_28 : memref<10240x8xf32, #tpu.memory_space<vmem_shared>>) offsets(%arg6 : memref<128xi32, #tpu.memory_space<vmem>>) semaphore(%run_scoped3A : memref<!tpu.dma_semaphore, #tpu.memory_space<semaphore_mem>>) {add = true}
        %dma_wait3A = arith.constant 0 : i32
        %dma_wait3A_29 = arith.constant 0 : i32
        %dma_wait3A_30 = tpu.memref_slice %arg9[%dma_wait3A, %dma_wait3A_29] : memref<10240x8xf32, #tpu.memory_space<vmem_shared>> -> memref<10240x8xf32, #tpu.memory_space<vmem_shared>>
        tpu.wait_indirect_dma semaphore(%run_scoped3A : memref<!tpu.dma_semaphore, #tpu.memory_space<semaphore_mem>>) src(%arg7 : memref<128x8xf32, #tpu.memory_space<vmem>>) dst(%dma_wait3A_30 : memref<10240x8xf32, #tpu.memory_space<vmem_shared>>)
        tpu.yield
      }) : () -> ()
    }
    %barrier3A_18 = arith.constant 0 : index
    tpu.barrier barrier_id(%barrier3A_18)
    %eq3A = arith.constant 0 : i32
    %eq3A_19 = arith.cmpi eq, %arg1, %eq3A : i32
    %convert_element_type3A = arith.extui %eq3A_19 : i1 to i32
    %cond3A = arith.constant 0 : i32
    %cond3A_20 = arith.cmpi ne, %convert_element_type3A, %cond3A : i32
    scf.if %cond3A_20 {
      "tpu.region"() ({
        %run_scoped3A = tpu.sem_alloc : memref<!tpu.dma_semaphore, #tpu.memory_space<semaphore_mem>>
        %dma_start3A = arith.constant 0 : i32
        %dma_start3A_21 = arith.constant 0 : i32
        %dma_start3A_22 = tpu.memref_slice %arg5[%arg0, %dma_start3A, %dma_start3A_21] : memref<2x10240x8xf32, #tpu.memory_space<hbm>> -> memref<1x10240x8xf32, #tpu.memory_space<hbm>>
        %dma_start3A_23 = tpu.memref_squeeze %dma_start3A_22 : memref<1x10240x8xf32, #tpu.memory_space<hbm>> -> memref<10240x8xf32, #tpu.memory_space<hbm>>
        tpu.enqueue_dma source(%arg9 : memref<10240x8xf32, #tpu.memory_space<vmem_shared>>) target(%dma_start3A_23 : memref<10240x8xf32, #tpu.memory_space<hbm>>) target_semaphore(%run_scoped3A : memref<!tpu.dma_semaphore, #tpu.memory_space<semaphore_mem>>)
        %dma_wait3A = arith.constant 0 : i32
        %dma_wait3A_24 = arith.constant 0 : i32
        %dma_wait3A_25 = tpu.memref_slice %arg5[%arg0, %dma_wait3A, %dma_wait3A_24] : memref<2x10240x8xf32, #tpu.memory_space<hbm>> -> memref<1x10240x8xf32, #tpu.memory_space<hbm>>
        %dma_wait3A_26 = tpu.memref_squeeze %dma_wait3A_25 : memref<1x10240x8xf32, #tpu.memory_space<hbm>> -> memref<10240x8xf32, #tpu.memory_space<hbm>>
        tpu.wait_dma2 semaphore(%run_scoped3A : memref<!tpu.dma_semaphore, #tpu.memory_space<semaphore_mem>>) src(%arg9 : memref<10240x8xf32, #tpu.memory_space<vmem_shared>>) dst(%dma_wait3A_26 : memref<10240x8xf32, #tpu.memory_space<hbm>>)
        tpu.yield
      }) : () -> ()
    } else {
    }
    return
  }
}

#map = affine_map<(d0, d1) -> (0, 0)>
#map1 = affine_map<(d0, d1) -> (0)>
#map2 = affine_map<(d0, d1) -> (0, 0, 0)>
module attributes {stable_mosaic.version = 14 : i64} {
  func.func @_sc_agg_body(%arg0: i32, %arg1: i32, %arg2: memref<10000x32xf32, #tpu.memory_space<hbm>>, %arg3: memref<320000xi32, #tpu.memory_space<hbm>>, %arg4: memref<320000xi32, #tpu.memory_space<hbm>>, %arg5: memref<10240x32xf32, #tpu.memory_space<hbm>>, %arg6: memref<32x640x32xf32, #tpu.memory_space<hbm>>, %arg7: memref<128xi32, #tpu.memory_space<vmem>>, %arg8: memref<128xi32, #tpu.memory_space<vmem>>, %arg9: memref<128xi32, #tpu.memory_space<vmem>>, %arg10: memref<128xi32, #tpu.memory_space<vmem>>, %arg11: memref<128xi32, #tpu.memory_space<vmem>>, %arg12: memref<128xi32, #tpu.memory_space<vmem>>, %arg13: memref<128x32xf32, #tpu.memory_space<vmem>>, %arg14: memref<128x32xf32, #tpu.memory_space<vmem>>, %arg15: memref<128x32xf32, #tpu.memory_space<vmem>>, %arg16: memref<640x32xf32, #tpu.memory_space<vmem>>, %arg17: memref<10240x32xf32, #tpu.memory_space<vmem_shared>>, %arg18: memref<!tpu.dma_semaphore, #tpu.memory_space<semaphore_mem>>, %arg19: memref<!tpu.dma_semaphore, #tpu.memory_space<semaphore_mem>>, %arg20: memref<!tpu.dma_semaphore, #tpu.memory_space<semaphore_mem>>) attributes {dimension_semantics = [#tpu.dimension_semantics<core_parallel>, #tpu.dimension_semantics<subcore_parallel>], iteration_bounds = array<i64: 2, 16>, scalar_prefetch = 0 : i64, scratch_operands = 14 : i64, tpu.core_type = #tpu.core_type<sc_vector_subcore>, window_params = [{transform_indices = #map}, {transform_indices = #map1}, {transform_indices = #map1}, {transform_indices = #map}, {transform_indices = #map2}]} {
    %mul3A = arith.constant 16 : i32
    %mul3A_0 = arith.muli %arg0, %mul3A : i32
    %add3A = arith.addi %mul3A_0, %arg1 : i32
    %mul3A_1 = arith.constant 640 : i32
    %mul3A_2 = arith.muli %arg1, %mul3A_1 : i32
    "tpu.region"() ({
      %run_scoped3A = tpu.sem_alloc : memref<!tpu.dma_semaphore, #tpu.memory_space<semaphore_mem>>
      %dma_start3A_66 = arith.constant 0 : i32
      %dma_start3A_67 = tpu.memref_slice %arg5[%mul3A_2, %dma_start3A_66] : memref<10240x32xf32, #tpu.memory_space<hbm>> -> memref<640x32xf32, #tpu.memory_space<hbm>>
      %dma_start3A_68 = arith.constant 0 : i32
      %dma_start3A_69 = tpu.memref_slice %arg5[%mul3A_2, %dma_start3A_68] : memref<10240x32xf32, #tpu.memory_space<hbm>> -> memref<640x32xf32, #tpu.memory_space<hbm>>
      tpu.enqueue_dma source(%dma_start3A_69 : memref<640x32xf32, #tpu.memory_space<hbm>>) target(%arg16 : memref<640x32xf32, #tpu.memory_space<vmem>>) target_semaphore(%run_scoped3A : memref<!tpu.dma_semaphore, #tpu.memory_space<semaphore_mem>>)
      %dma_wait3A_70 = arith.constant 0 : i32
      %dma_wait3A_71 = tpu.memref_slice %arg5[%mul3A_2, %dma_wait3A_70] : memref<10240x32xf32, #tpu.memory_space<hbm>> -> memref<640x32xf32, #tpu.memory_space<hbm>>
      %dma_wait3A_72 = arith.constant 0 : i32
      %dma_wait3A_73 = tpu.memref_slice %arg5[%mul3A_2, %dma_wait3A_72] : memref<10240x32xf32, #tpu.memory_space<hbm>> -> memref<640x32xf32, #tpu.memory_space<hbm>>
      tpu.wait_dma2 semaphore(%run_scoped3A : memref<!tpu.dma_semaphore, #tpu.memory_space<semaphore_mem>>) src(%dma_wait3A_73 : memref<640x32xf32, #tpu.memory_space<hbm>>) dst(%arg16 : memref<640x32xf32, #tpu.memory_space<vmem>>)
      tpu.yield
    }) : () -> ()
    %mul3A_3 = arith.constant 640 : i32
    %mul3A_4 = arith.muli %arg1, %mul3A_3 : i32
    "tpu.region"() ({
      %run_scoped3A = tpu.sem_alloc : memref<!tpu.dma_semaphore, #tpu.memory_space<semaphore_mem>>
      %dma_start3A_66 = arith.constant 0 : i32
      %dma_start3A_67 = tpu.memref_slice %arg17[%mul3A_4, %dma_start3A_66] : memref<10240x32xf32, #tpu.memory_space<vmem_shared>> -> memref<640x32xf32, #tpu.memory_space<vmem_shared>>
      %dma_start3A_68 = arith.constant 0 : i32
      %dma_start3A_69 = tpu.memref_slice %arg17[%mul3A_4, %dma_start3A_68] : memref<10240x32xf32, #tpu.memory_space<vmem_shared>> -> memref<640x32xf32, #tpu.memory_space<vmem_shared>>
      tpu.enqueue_dma source(%arg16 : memref<640x32xf32, #tpu.memory_space<vmem>>) target(%dma_start3A_69 : memref<640x32xf32, #tpu.memory_space<vmem_shared>>) target_semaphore(%run_scoped3A : memref<!tpu.dma_semaphore, #tpu.memory_space<semaphore_mem>>)
      %dma_wait3A_70 = arith.constant 0 : i32
      %dma_wait3A_71 = tpu.memref_slice %arg17[%mul3A_4, %dma_wait3A_70] : memref<10240x32xf32, #tpu.memory_space<vmem_shared>> -> memref<640x32xf32, #tpu.memory_space<vmem_shared>>
      %dma_wait3A_72 = arith.constant 0 : i32
      %dma_wait3A_73 = tpu.memref_slice %arg17[%mul3A_4, %dma_wait3A_72] : memref<10240x32xf32, #tpu.memory_space<vmem_shared>> -> memref<640x32xf32, #tpu.memory_space<vmem_shared>>
      tpu.wait_dma2 semaphore(%run_scoped3A : memref<!tpu.dma_semaphore, #tpu.memory_space<semaphore_mem>>) src(%arg16 : memref<640x32xf32, #tpu.memory_space<vmem>>) dst(%dma_wait3A_73 : memref<640x32xf32, #tpu.memory_space<vmem_shared>>)
      tpu.yield
    }) : () -> ()
    %barrier3A = arith.constant 0 : index
    tpu.barrier barrier_id(%barrier3A)
    %add3A_5 = arith.constant 0 : i32
    %add3A_6 = arith.addi %add3A, %add3A_5 : i32
    %mul3A_7 = arith.constant 128 : i32
    %mul3A_8 = arith.muli %add3A_6, %mul3A_7 : i32
    "tpu.region"() ({
      %run_scoped3A = tpu.sem_alloc : memref<!tpu.dma_semaphore, #tpu.memory_space<semaphore_mem>>
      %dma_start3A_66 = tpu.memref_slice %arg3[%mul3A_8] : memref<320000xi32, #tpu.memory_space<hbm>> -> memref<128xi32, #tpu.memory_space<hbm>>
      %dma_start3A_67 = tpu.memref_slice %arg3[%mul3A_8] : memref<320000xi32, #tpu.memory_space<hbm>> -> memref<128xi32, #tpu.memory_space<hbm>>
      tpu.enqueue_dma source(%dma_start3A_67 : memref<128xi32, #tpu.memory_space<hbm>>) target(%arg7 : memref<128xi32, #tpu.memory_space<vmem>>) target_semaphore(%run_scoped3A : memref<!tpu.dma_semaphore, #tpu.memory_space<semaphore_mem>>)
      %dma_wait3A_68 = tpu.memref_slice %arg3[%mul3A_8] : memref<320000xi32, #tpu.memory_space<hbm>> -> memref<128xi32, #tpu.memory_space<hbm>>
      %dma_wait3A_69 = tpu.memref_slice %arg3[%mul3A_8] : memref<320000xi32, #tpu.memory_space<hbm>> -> memref<128xi32, #tpu.memory_space<hbm>>
      tpu.wait_dma2 semaphore(%run_scoped3A : memref<!tpu.dma_semaphore, #tpu.memory_space<semaphore_mem>>) src(%dma_wait3A_69 : memref<128xi32, #tpu.memory_space<hbm>>) dst(%arg7 : memref<128xi32, #tpu.memory_space<vmem>>)
      tpu.yield
    }) : () -> ()
    %add3A_9 = arith.constant 0 : i32
    %add3A_10 = arith.addi %add3A, %add3A_9 : i32
    %mul3A_11 = arith.constant 128 : i32
    %mul3A_12 = arith.muli %add3A_10, %mul3A_11 : i32
    "tpu.region"() ({
      %run_scoped3A = tpu.sem_alloc : memref<!tpu.dma_semaphore, #tpu.memory_space<semaphore_mem>>
      %dma_start3A_66 = tpu.memref_slice %arg4[%mul3A_12] : memref<320000xi32, #tpu.memory_space<hbm>> -> memref<128xi32, #tpu.memory_space<hbm>>
      %dma_start3A_67 = tpu.memref_slice %arg4[%mul3A_12] : memref<320000xi32, #tpu.memory_space<hbm>> -> memref<128xi32, #tpu.memory_space<hbm>>
      tpu.enqueue_dma source(%dma_start3A_67 : memref<128xi32, #tpu.memory_space<hbm>>) target(%arg10 : memref<128xi32, #tpu.memory_space<vmem>>) target_semaphore(%run_scoped3A : memref<!tpu.dma_semaphore, #tpu.memory_space<semaphore_mem>>)
      %dma_wait3A_68 = tpu.memref_slice %arg4[%mul3A_12] : memref<320000xi32, #tpu.memory_space<hbm>> -> memref<128xi32, #tpu.memory_space<hbm>>
      %dma_wait3A_69 = tpu.memref_slice %arg4[%mul3A_12] : memref<320000xi32, #tpu.memory_space<hbm>> -> memref<128xi32, #tpu.memory_space<hbm>>
      tpu.wait_dma2 semaphore(%run_scoped3A : memref<!tpu.dma_semaphore, #tpu.memory_space<semaphore_mem>>) src(%dma_wait3A_69 : memref<128xi32, #tpu.memory_space<hbm>>) dst(%arg10 : memref<128xi32, #tpu.memory_space<vmem>>)
      tpu.yield
    }) : () -> ()
    %dma_start3A = arith.constant 0 : i32
    %dma_start3A_13 = arith.constant 0 : i32
    %dma_start3A_14 = tpu.memref_slice %arg2[%dma_start3A, %dma_start3A_13] : memref<10000x32xf32, #tpu.memory_space<hbm>> -> memref<10000x32xf32, #tpu.memory_space<hbm>>
    tpu.enqueue_indirect_dma source(%dma_start3A_14 : memref<10000x32xf32, #tpu.memory_space<hbm>>) target(%arg13 : memref<128x32xf32, #tpu.memory_space<vmem>>) offsets(%arg7 : memref<128xi32, #tpu.memory_space<vmem>>) semaphore(%arg18 : memref<!tpu.dma_semaphore, #tpu.memory_space<semaphore_mem>>)
    %add3A_15 = arith.constant 32 : i32
    %add3A_16 = arith.addi %add3A, %add3A_15 : i32
    %mul3A_17 = arith.constant 128 : i32
    %mul3A_18 = arith.muli %add3A_16, %mul3A_17 : i32
    "tpu.region"() ({
      %run_scoped3A = tpu.sem_alloc : memref<!tpu.dma_semaphore, #tpu.memory_space<semaphore_mem>>
      %dma_start3A_66 = tpu.memref_slice %arg3[%mul3A_18] : memref<320000xi32, #tpu.memory_space<hbm>> -> memref<128xi32, #tpu.memory_space<hbm>>
      %dma_start3A_67 = tpu.memref_slice %arg3[%mul3A_18] : memref<320000xi32, #tpu.memory_space<hbm>> -> memref<128xi32, #tpu.memory_space<hbm>>
      tpu.enqueue_dma source(%dma_start3A_67 : memref<128xi32, #tpu.memory_space<hbm>>) target(%arg8 : memref<128xi32, #tpu.memory_space<vmem>>) target_semaphore(%run_scoped3A : memref<!tpu.dma_semaphore, #tpu.memory_space<semaphore_mem>>)
      %dma_wait3A_68 = tpu.memref_slice %arg3[%mul3A_18] : memref<320000xi32, #tpu.memory_space<hbm>> -> memref<128xi32, #tpu.memory_space<hbm>>
      %dma_wait3A_69 = tpu.memref_slice %arg3[%mul3A_18] : memref<320000xi32, #tpu.memory_space<hbm>> -> memref<128xi32, #tpu.memory_space<hbm>>
      tpu.wait_dma2 semaphore(%run_scoped3A : memref<!tpu.dma_semaphore, #tpu.memory_space<semaphore_mem>>) src(%dma_wait3A_69 : memref<128xi32, #tpu.memory_space<hbm>>) dst(%arg8 : memref<128xi32, #tpu.memory_space<vmem>>)
      tpu.yield
    }) : () -> ()
    %add3A_19 = arith.constant 32 : i32
    %add3A_20 = arith.addi %add3A, %add3A_19 : i32
    %mul3A_21 = arith.constant 128 : i32
    %mul3A_22 = arith.muli %add3A_20, %mul3A_21 : i32
    "tpu.region"() ({
      %run_scoped3A = tpu.sem_alloc : memref<!tpu.dma_semaphore, #tpu.memory_space<semaphore_mem>>
      %dma_start3A_66 = tpu.memref_slice %arg4[%mul3A_22] : memref<320000xi32, #tpu.memory_space<hbm>> -> memref<128xi32, #tpu.memory_space<hbm>>
      %dma_start3A_67 = tpu.memref_slice %arg4[%mul3A_22] : memref<320000xi32, #tpu.memory_space<hbm>> -> memref<128xi32, #tpu.memory_space<hbm>>
      tpu.enqueue_dma source(%dma_start3A_67 : memref<128xi32, #tpu.memory_space<hbm>>) target(%arg11 : memref<128xi32, #tpu.memory_space<vmem>>) target_semaphore(%run_scoped3A : memref<!tpu.dma_semaphore, #tpu.memory_space<semaphore_mem>>)
      %dma_wait3A_68 = tpu.memref_slice %arg4[%mul3A_22] : memref<320000xi32, #tpu.memory_space<hbm>> -> memref<128xi32, #tpu.memory_space<hbm>>
      %dma_wait3A_69 = tpu.memref_slice %arg4[%mul3A_22] : memref<320000xi32, #tpu.memory_space<hbm>> -> memref<128xi32, #tpu.memory_space<hbm>>
      tpu.wait_dma2 semaphore(%run_scoped3A : memref<!tpu.dma_semaphore, #tpu.memory_space<semaphore_mem>>) src(%dma_wait3A_69 : memref<128xi32, #tpu.memory_space<hbm>>) dst(%arg11 : memref<128xi32, #tpu.memory_space<vmem>>)
      tpu.yield
    }) : () -> ()
    %dma_start3A_23 = arith.constant 0 : i32
    %dma_start3A_24 = arith.constant 0 : i32
    %dma_start3A_25 = tpu.memref_slice %arg2[%dma_start3A_23, %dma_start3A_24] : memref<10000x32xf32, #tpu.memory_space<hbm>> -> memref<10000x32xf32, #tpu.memory_space<hbm>>
    tpu.enqueue_indirect_dma source(%dma_start3A_25 : memref<10000x32xf32, #tpu.memory_space<hbm>>) target(%arg14 : memref<128x32xf32, #tpu.memory_space<vmem>>) offsets(%arg8 : memref<128xi32, #tpu.memory_space<vmem>>) semaphore(%arg19 : memref<!tpu.dma_semaphore, #tpu.memory_space<semaphore_mem>>)
    %add3A_26 = arith.constant 64 : i32
    %add3A_27 = arith.addi %add3A, %add3A_26 : i32
    %mul3A_28 = arith.constant 128 : i32
    %mul3A_29 = arith.muli %add3A_27, %mul3A_28 : i32
    "tpu.region"() ({
      %run_scoped3A = tpu.sem_alloc : memref<!tpu.dma_semaphore, #tpu.memory_space<semaphore_mem>>
      %dma_start3A_66 = tpu.memref_slice %arg3[%mul3A_29] : memref<320000xi32, #tpu.memory_space<hbm>> -> memref<128xi32, #tpu.memory_space<hbm>>
      %dma_start3A_67 = tpu.memref_slice %arg3[%mul3A_29] : memref<320000xi32, #tpu.memory_space<hbm>> -> memref<128xi32, #tpu.memory_space<hbm>>
      tpu.enqueue_dma source(%dma_start3A_67 : memref<128xi32, #tpu.memory_space<hbm>>) target(%arg9 : memref<128xi32, #tpu.memory_space<vmem>>) target_semaphore(%run_scoped3A : memref<!tpu.dma_semaphore, #tpu.memory_space<semaphore_mem>>)
      %dma_wait3A_68 = tpu.memref_slice %arg3[%mul3A_29] : memref<320000xi32, #tpu.memory_space<hbm>> -> memref<128xi32, #tpu.memory_space<hbm>>
      %dma_wait3A_69 = tpu.memref_slice %arg3[%mul3A_29] : memref<320000xi32, #tpu.memory_space<hbm>> -> memref<128xi32, #tpu.memory_space<hbm>>
      tpu.wait_dma2 semaphore(%run_scoped3A : memref<!tpu.dma_semaphore, #tpu.memory_space<semaphore_mem>>) src(%dma_wait3A_69 : memref<128xi32, #tpu.memory_space<hbm>>) dst(%arg9 : memref<128xi32, #tpu.memory_space<vmem>>)
      tpu.yield
    }) : () -> ()
    %add3A_30 = arith.constant 64 : i32
    %add3A_31 = arith.addi %add3A, %add3A_30 : i32
    %mul3A_32 = arith.constant 128 : i32
    %mul3A_33 = arith.muli %add3A_31, %mul3A_32 : i32
    "tpu.region"() ({
      %run_scoped3A = tpu.sem_alloc : memref<!tpu.dma_semaphore, #tpu.memory_space<semaphore_mem>>
      %dma_start3A_66 = tpu.memref_slice %arg4[%mul3A_33] : memref<320000xi32, #tpu.memory_space<hbm>> -> memref<128xi32, #tpu.memory_space<hbm>>
      %dma_start3A_67 = tpu.memref_slice %arg4[%mul3A_33] : memref<320000xi32, #tpu.memory_space<hbm>> -> memref<128xi32, #tpu.memory_space<hbm>>
      tpu.enqueue_dma source(%dma_start3A_67 : memref<128xi32, #tpu.memory_space<hbm>>) target(%arg12 : memref<128xi32, #tpu.memory_space<vmem>>) target_semaphore(%run_scoped3A : memref<!tpu.dma_semaphore, #tpu.memory_space<semaphore_mem>>)
      %dma_wait3A_68 = tpu.memref_slice %arg4[%mul3A_33] : memref<320000xi32, #tpu.memory_space<hbm>> -> memref<128xi32, #tpu.memory_space<hbm>>
      %dma_wait3A_69 = tpu.memref_slice %arg4[%mul3A_33] : memref<320000xi32, #tpu.memory_space<hbm>> -> memref<128xi32, #tpu.memory_space<hbm>>
      tpu.wait_dma2 semaphore(%run_scoped3A : memref<!tpu.dma_semaphore, #tpu.memory_space<semaphore_mem>>) src(%dma_wait3A_69 : memref<128xi32, #tpu.memory_space<hbm>>) dst(%arg12 : memref<128xi32, #tpu.memory_space<vmem>>)
      tpu.yield
    }) : () -> ()
    %dma_start3A_34 = arith.constant 0 : i32
    %dma_start3A_35 = arith.constant 0 : i32
    %dma_start3A_36 = tpu.memref_slice %arg2[%dma_start3A_34, %dma_start3A_35] : memref<10000x32xf32, #tpu.memory_space<hbm>> -> memref<10000x32xf32, #tpu.memory_space<hbm>>
    tpu.enqueue_indirect_dma source(%dma_start3A_36 : memref<10000x32xf32, #tpu.memory_space<hbm>>) target(%arg15 : memref<128x32xf32, #tpu.memory_space<vmem>>) offsets(%arg9 : memref<128xi32, #tpu.memory_space<vmem>>) semaphore(%arg20 : memref<!tpu.dma_semaphore, #tpu.memory_space<semaphore_mem>>)
    %scan3A = arith.constant 0 : i32
    %scan3A_37 = arith.constant 0 : i32
    %scan3A_38 = arith.constant 25 : i32
    %scan3A_39 = arith.addi %scan3A_37, %scan3A_38 : i32
    %scan3A_40 = arith.constant 1 : i32
    scf.for %scan3A_66 = %scan3A_37 to %scan3A_39 step %scan3A_40  : i32 {
      %mul3A_67 = arith.constant 3 : i32
      %mul3A_68 = arith.muli %scan3A_66, %mul3A_67 : i32
      %add3A_69 = arith.constant 0 : i32
      %add3A_70 = arith.addi %mul3A_68, %add3A_69 : i32
      %dma_wait3A_71 = arith.constant 0 : i32
      %dma_wait3A_72 = arith.constant 0 : i32
      %dma_wait3A_73 = tpu.memref_slice %arg2[%dma_wait3A_71, %dma_wait3A_72] : memref<10000x32xf32, #tpu.memory_space<hbm>> -> memref<10000x32xf32, #tpu.memory_space<hbm>>
      tpu.wait_indirect_dma semaphore(%arg18 : memref<!tpu.dma_semaphore, #tpu.memory_space<semaphore_mem>>) src(%dma_wait3A_73 : memref<10000x32xf32, #tpu.memory_space<hbm>>) dst(%arg13 : memref<128x32xf32, #tpu.memory_space<vmem>>)
      "tpu.region"() ({
        %run_scoped3A = tpu.sem_alloc : memref<!tpu.dma_semaphore, #tpu.memory_space<semaphore_mem>>
        %dma_start3A_133 = arith.constant 0 : i32
        %dma_start3A_134 = arith.constant 0 : i32
        %dma_start3A_135 = tpu.memref_slice %arg17[%dma_start3A_133, %dma_start3A_134] : memref<10240x32xf32, #tpu.memory_space<vmem_shared>> -> memref<10240x32xf32, #tpu.memory_space<vmem_shared>>
        tpu.enqueue_indirect_dma source(%arg13 : memref<128x32xf32, #tpu.memory_space<vmem>>) target(%dma_start3A_135 : memref<10240x32xf32, #tpu.memory_space<vmem_shared>>) offsets(%arg10 : memref<128xi32, #tpu.memory_space<vmem>>) semaphore(%run_scoped3A : memref<!tpu.dma_semaphore, #tpu.memory_space<semaphore_mem>>) {add = true}
        %dma_wait3A_136 = arith.constant 0 : i32
        %dma_wait3A_137 = arith.constant 0 : i32
        %dma_wait3A_138 = tpu.memref_slice %arg17[%dma_wait3A_136, %dma_wait3A_137] : memref<10240x32xf32, #tpu.memory_space<vmem_shared>> -> memref<10240x32xf32, #tpu.memory_space<vmem_shared>>
        tpu.wait_indirect_dma semaphore(%run_scoped3A : memref<!tpu.dma_semaphore, #tpu.memory_space<semaphore_mem>>) src(%arg13 : memref<128x32xf32, #tpu.memory_space<vmem>>) dst(%dma_wait3A_138 : memref<10240x32xf32, #tpu.memory_space<vmem_shared>>)
        tpu.yield
      }) : () -> ()
      %add3A_74 = arith.constant 3 : i32
      %add3A_75 = arith.addi %add3A_70, %add3A_74 : i32
      %mul3A_76 = arith.constant 32 : i32
      %mul3A_77 = arith.muli %mul3A_76, %add3A_75 : i32
      %add3A_78 = arith.addi %add3A, %mul3A_77 : i32
      %mul3A_79 = arith.constant 128 : i32
      %mul3A_80 = arith.muli %add3A_78, %mul3A_79 : i32
      "tpu.region"() ({
        %run_scoped3A = tpu.sem_alloc : memref<!tpu.dma_semaphore, #tpu.memory_space<semaphore_mem>>
        %dma_start3A_133 = tpu.memref_slice %arg3[%mul3A_80] : memref<320000xi32, #tpu.memory_space<hbm>> -> memref<128xi32, #tpu.memory_space<hbm>>
        %dma_start3A_134 = tpu.memref_slice %arg3[%mul3A_80] : memref<320000xi32, #tpu.memory_space<hbm>> -> memref<128xi32, #tpu.memory_space<hbm>>
        tpu.enqueue_dma source(%dma_start3A_134 : memref<128xi32, #tpu.memory_space<hbm>>) target(%arg7 : memref<128xi32, #tpu.memory_space<vmem>>) target_semaphore(%run_scoped3A : memref<!tpu.dma_semaphore, #tpu.memory_space<semaphore_mem>>)
        %dma_wait3A_135 = tpu.memref_slice %arg3[%mul3A_80] : memref<320000xi32, #tpu.memory_space<hbm>> -> memref<128xi32, #tpu.memory_space<hbm>>
        %dma_wait3A_136 = tpu.memref_slice %arg3[%mul3A_80] : memref<320000xi32, #tpu.memory_space<hbm>> -> memref<128xi32, #tpu.memory_space<hbm>>
        tpu.wait_dma2 semaphore(%run_scoped3A : memref<!tpu.dma_semaphore, #tpu.memory_space<semaphore_mem>>) src(%dma_wait3A_136 : memref<128xi32, #tpu.memory_space<hbm>>) dst(%arg7 : memref<128xi32, #tpu.memory_space<vmem>>)
        tpu.yield
      }) : () -> ()
      %mul3A_81 = arith.constant 32 : i32
      %mul3A_82 = arith.muli %mul3A_81, %add3A_75 : i32
      %add3A_83 = arith.addi %add3A, %mul3A_82 : i32
      %mul3A_84 = arith.constant 128 : i32
      %mul3A_85 = arith.muli %add3A_83, %mul3A_84 : i32
      "tpu.region"() ({
        %run_scoped3A = tpu.sem_alloc : memref<!tpu.dma_semaphore, #tpu.memory_space<semaphore_mem>>
        %dma_start3A_133 = tpu.memref_slice %arg4[%mul3A_85] : memref<320000xi32, #tpu.memory_space<hbm>> -> memref<128xi32, #tpu.memory_space<hbm>>
        %dma_start3A_134 = tpu.memref_slice %arg4[%mul3A_85] : memref<320000xi32, #tpu.memory_space<hbm>> -> memref<128xi32, #tpu.memory_space<hbm>>
        tpu.enqueue_dma source(%dma_start3A_134 : memref<128xi32, #tpu.memory_space<hbm>>) target(%arg10 : memref<128xi32, #tpu.memory_space<vmem>>) target_semaphore(%run_scoped3A : memref<!tpu.dma_semaphore, #tpu.memory_space<semaphore_mem>>)
        %dma_wait3A_135 = tpu.memref_slice %arg4[%mul3A_85] : memref<320000xi32, #tpu.memory_space<hbm>> -> memref<128xi32, #tpu.memory_space<hbm>>
        %dma_wait3A_136 = tpu.memref_slice %arg4[%mul3A_85] : memref<320000xi32, #tpu.memory_space<hbm>> -> memref<128xi32, #tpu.memory_space<hbm>>
        tpu.wait_dma2 semaphore(%run_scoped3A : memref<!tpu.dma_semaphore, #tpu.memory_space<semaphore_mem>>) src(%dma_wait3A_136 : memref<128xi32, #tpu.memory_space<hbm>>) dst(%arg10 : memref<128xi32, #tpu.memory_space<vmem>>)
        tpu.yield
      }) : () -> ()
      %dma_start3A_86 = arith.constant 0 : i32
      %dma_start3A_87 = arith.constant 0 : i32
      %dma_start3A_88 = tpu.memref_slice %arg2[%dma_start3A_86, %dma_start3A_87] : memref<10000x32xf32, #tpu.memory_space<hbm>> -> memref<10000x32xf32, #tpu.memory_space<hbm>>
      tpu.enqueue_indirect_dma source(%dma_start3A_88 : memref<10000x32xf32, #tpu.memory_space<hbm>>) target(%arg13 : memref<128x32xf32, #tpu.memory_space<vmem>>) offsets(%arg7 : memref<128xi32, #tpu.memory_space<vmem>>) semaphore(%arg18 : memref<!tpu.dma_semaphore, #tpu.memory_space<semaphore_mem>>)
      %mul3A_89 = arith.constant 3 : i32
      %mul3A_90 = arith.muli %scan3A_66, %mul3A_89 : i32
      %add3A_91 = arith.constant 1 : i32
      %add3A_92 = arith.addi %mul3A_90, %add3A_91 : i32
      %dma_wait3A_93 = arith.constant 0 : i32
      %dma_wait3A_94 = arith.constant 0 : i32
      %dma_wait3A_95 = tpu.memref_slice %arg2[%dma_wait3A_93, %dma_wait3A_94] : memref<10000x32xf32, #tpu.memory_space<hbm>> -> memref<10000x32xf32, #tpu.memory_space<hbm>>
      tpu.wait_indirect_dma semaphore(%arg19 : memref<!tpu.dma_semaphore, #tpu.memory_space<semaphore_mem>>) src(%dma_wait3A_95 : memref<10000x32xf32, #tpu.memory_space<hbm>>) dst(%arg14 : memref<128x32xf32, #tpu.memory_space<vmem>>)
      "tpu.region"() ({
        %run_scoped3A = tpu.sem_alloc : memref<!tpu.dma_semaphore, #tpu.memory_space<semaphore_mem>>
        %dma_start3A_133 = arith.constant 0 : i32
        %dma_start3A_134 = arith.constant 0 : i32
        %dma_start3A_135 = tpu.memref_slice %arg17[%dma_start3A_133, %dma_start3A_134] : memref<10240x32xf32, #tpu.memory_space<vmem_shared>> -> memref<10240x32xf32, #tpu.memory_space<vmem_shared>>
        tpu.enqueue_indirect_dma source(%arg14 : memref<128x32xf32, #tpu.memory_space<vmem>>) target(%dma_start3A_135 : memref<10240x32xf32, #tpu.memory_space<vmem_shared>>) offsets(%arg11 : memref<128xi32, #tpu.memory_space<vmem>>) semaphore(%run_scoped3A : memref<!tpu.dma_semaphore, #tpu.memory_space<semaphore_mem>>) {add = true}
        %dma_wait3A_136 = arith.constant 0 : i32
        %dma_wait3A_137 = arith.constant 0 : i32
        %dma_wait3A_138 = tpu.memref_slice %arg17[%dma_wait3A_136, %dma_wait3A_137] : memref<10240x32xf32, #tpu.memory_space<vmem_shared>> -> memref<10240x32xf32, #tpu.memory_space<vmem_shared>>
        tpu.wait_indirect_dma semaphore(%run_scoped3A : memref<!tpu.dma_semaphore, #tpu.memory_space<semaphore_mem>>) src(%arg14 : memref<128x32xf32, #tpu.memory_space<vmem>>) dst(%dma_wait3A_138 : memref<10240x32xf32, #tpu.memory_space<vmem_shared>>)
        tpu.yield
      }) : () -> ()
      %add3A_96 = arith.constant 3 : i32
      %add3A_97 = arith.addi %add3A_92, %add3A_96 : i32
      %mul3A_98 = arith.constant 32 : i32
      %mul3A_99 = arith.muli %mul3A_98, %add3A_97 : i32
      %add3A_100 = arith.addi %add3A, %mul3A_99 : i32
      %mul3A_101 = arith.constant 128 : i32
      %mul3A_102 = arith.muli %add3A_100, %mul3A_101 : i32
      "tpu.region"() ({
        %run_scoped3A = tpu.sem_alloc : memref<!tpu.dma_semaphore, #tpu.memory_space<semaphore_mem>>
        %dma_start3A_133 = tpu.memref_slice %arg3[%mul3A_102] : memref<320000xi32, #tpu.memory_space<hbm>> -> memref<128xi32, #tpu.memory_space<hbm>>
        %dma_start3A_134 = tpu.memref_slice %arg3[%mul3A_102] : memref<320000xi32, #tpu.memory_space<hbm>> -> memref<128xi32, #tpu.memory_space<hbm>>
        tpu.enqueue_dma source(%dma_start3A_134 : memref<128xi32, #tpu.memory_space<hbm>>) target(%arg8 : memref<128xi32, #tpu.memory_space<vmem>>) target_semaphore(%run_scoped3A : memref<!tpu.dma_semaphore, #tpu.memory_space<semaphore_mem>>)
        %dma_wait3A_135 = tpu.memref_slice %arg3[%mul3A_102] : memref<320000xi32, #tpu.memory_space<hbm>> -> memref<128xi32, #tpu.memory_space<hbm>>
        %dma_wait3A_136 = tpu.memref_slice %arg3[%mul3A_102] : memref<320000xi32, #tpu.memory_space<hbm>> -> memref<128xi32, #tpu.memory_space<hbm>>
        tpu.wait_dma2 semaphore(%run_scoped3A : memref<!tpu.dma_semaphore, #tpu.memory_space<semaphore_mem>>) src(%dma_wait3A_136 : memref<128xi32, #tpu.memory_space<hbm>>) dst(%arg8 : memref<128xi32, #tpu.memory_space<vmem>>)
        tpu.yield
      }) : () -> ()
      %mul3A_103 = arith.constant 32 : i32
      %mul3A_104 = arith.muli %mul3A_103, %add3A_97 : i32
      %add3A_105 = arith.addi %add3A, %mul3A_104 : i32
      %mul3A_106 = arith.constant 128 : i32
      %mul3A_107 = arith.muli %add3A_105, %mul3A_106 : i32
      "tpu.region"() ({
        %run_scoped3A = tpu.sem_alloc : memref<!tpu.dma_semaphore, #tpu.memory_space<semaphore_mem>>
        %dma_start3A_133 = tpu.memref_slice %arg4[%mul3A_107] : memref<320000xi32, #tpu.memory_space<hbm>> -> memref<128xi32, #tpu.memory_space<hbm>>
        %dma_start3A_134 = tpu.memref_slice %arg4[%mul3A_107] : memref<320000xi32, #tpu.memory_space<hbm>> -> memref<128xi32, #tpu.memory_space<hbm>>
        tpu.enqueue_dma source(%dma_start3A_134 : memref<128xi32, #tpu.memory_space<hbm>>) target(%arg11 : memref<128xi32, #tpu.memory_space<vmem>>) target_semaphore(%run_scoped3A : memref<!tpu.dma_semaphore, #tpu.memory_space<semaphore_mem>>)
        %dma_wait3A_135 = tpu.memref_slice %arg4[%mul3A_107] : memref<320000xi32, #tpu.memory_space<hbm>> -> memref<128xi32, #tpu.memory_space<hbm>>
        %dma_wait3A_136 = tpu.memref_slice %arg4[%mul3A_107] : memref<320000xi32, #tpu.memory_space<hbm>> -> memref<128xi32, #tpu.memory_space<hbm>>
        tpu.wait_dma2 semaphore(%run_scoped3A : memref<!tpu.dma_semaphore, #tpu.memory_space<semaphore_mem>>) src(%dma_wait3A_136 : memref<128xi32, #tpu.memory_space<hbm>>) dst(%arg11 : memref<128xi32, #tpu.memory_space<vmem>>)
        tpu.yield
      }) : () -> ()
      %dma_start3A_108 = arith.constant 0 : i32
      %dma_start3A_109 = arith.constant 0 : i32
      %dma_start3A_110 = tpu.memref_slice %arg2[%dma_start3A_108, %dma_start3A_109] : memref<10000x32xf32, #tpu.memory_space<hbm>> -> memref<10000x32xf32, #tpu.memory_space<hbm>>
      tpu.enqueue_indirect_dma source(%dma_start3A_110 : memref<10000x32xf32, #tpu.memory_space<hbm>>) target(%arg14 : memref<128x32xf32, #tpu.memory_space<vmem>>) offsets(%arg8 : memref<128xi32, #tpu.memory_space<vmem>>) semaphore(%arg19 : memref<!tpu.dma_semaphore, #tpu.memory_space<semaphore_mem>>)
      %mul3A_111 = arith.constant 3 : i32
      %mul3A_112 = arith.muli %scan3A_66, %mul3A_111 : i32
      %add3A_113 = arith.constant 2 : i32
      %add3A_114 = arith.addi %mul3A_112, %add3A_113 : i32
      %dma_wait3A_115 = arith.constant 0 : i32
      %dma_wait3A_116 = arith.constant 0 : i32
      %dma_wait3A_117 = tpu.memref_slice %arg2[%dma_wait3A_115, %dma_wait3A_116] : memref<10000x32xf32, #tpu.memory_space<hbm>> -> memref<10000x32xf32, #tpu.memory_space<hbm>>
      tpu.wait_indirect_dma semaphore(%arg20 : memref<!tpu.dma_semaphore, #tpu.memory_space<semaphore_mem>>) src(%dma_wait3A_117 : memref<10000x32xf32, #tpu.memory_space<hbm>>) dst(%arg15 : memref<128x32xf32, #tpu.memory_space<vmem>>)
      "tpu.region"() ({
        %run_scoped3A = tpu.sem_alloc : memref<!tpu.dma_semaphore, #tpu.memory_space<semaphore_mem>>
        %dma_start3A_133 = arith.constant 0 : i32
        %dma_start3A_134 = arith.constant 0 : i32
        %dma_start3A_135 = tpu.memref_slice %arg17[%dma_start3A_133, %dma_start3A_134] : memref<10240x32xf32, #tpu.memory_space<vmem_shared>> -> memref<10240x32xf32, #tpu.memory_space<vmem_shared>>
        tpu.enqueue_indirect_dma source(%arg15 : memref<128x32xf32, #tpu.memory_space<vmem>>) target(%dma_start3A_135 : memref<10240x32xf32, #tpu.memory_space<vmem_shared>>) offsets(%arg12 : memref<128xi32, #tpu.memory_space<vmem>>) semaphore(%run_scoped3A : memref<!tpu.dma_semaphore, #tpu.memory_space<semaphore_mem>>) {add = true}
        %dma_wait3A_136 = arith.constant 0 : i32
        %dma_wait3A_137 = arith.constant 0 : i32
        %dma_wait3A_138 = tpu.memref_slice %arg17[%dma_wait3A_136, %dma_wait3A_137] : memref<10240x32xf32, #tpu.memory_space<vmem_shared>> -> memref<10240x32xf32, #tpu.memory_space<vmem_shared>>
        tpu.wait_indirect_dma semaphore(%run_scoped3A : memref<!tpu.dma_semaphore, #tpu.memory_space<semaphore_mem>>) src(%arg15 : memref<128x32xf32, #tpu.memory_space<vmem>>) dst(%dma_wait3A_138 : memref<10240x32xf32, #tpu.memory_space<vmem_shared>>)
        tpu.yield
      }) : () -> ()
      %add3A_118 = arith.constant 3 : i32
      %add3A_119 = arith.addi %add3A_114, %add3A_118 : i32
      %mul3A_120 = arith.constant 32 : i32
      %mul3A_121 = arith.muli %mul3A_120, %add3A_119 : i32
      %add3A_122 = arith.addi %add3A, %mul3A_121 : i32
      %mul3A_123 = arith.constant 128 : i32
      %mul3A_124 = arith.muli %add3A_122, %mul3A_123 : i32
      "tpu.region"() ({
        %run_scoped3A = tpu.sem_alloc : memref<!tpu.dma_semaphore, #tpu.memory_space<semaphore_mem>>
        %dma_start3A_133 = tpu.memref_slice %arg3[%mul3A_124] : memref<320000xi32, #tpu.memory_space<hbm>> -> memref<128xi32, #tpu.memory_space<hbm>>
        %dma_start3A_134 = tpu.memref_slice %arg3[%mul3A_124] : memref<320000xi32, #tpu.memory_space<hbm>> -> memref<128xi32, #tpu.memory_space<hbm>>
        tpu.enqueue_dma source(%dma_start3A_134 : memref<128xi32, #tpu.memory_space<hbm>>) target(%arg9 : memref<128xi32, #tpu.memory_space<vmem>>) target_semaphore(%run_scoped3A : memref<!tpu.dma_semaphore, #tpu.memory_space<semaphore_mem>>)
        %dma_wait3A_135 = tpu.memref_slice %arg3[%mul3A_124] : memref<320000xi32, #tpu.memory_space<hbm>> -> memref<128xi32, #tpu.memory_space<hbm>>
        %dma_wait3A_136 = tpu.memref_slice %arg3[%mul3A_124] : memref<320000xi32, #tpu.memory_space<hbm>> -> memref<128xi32, #tpu.memory_space<hbm>>
        tpu.wait_dma2 semaphore(%run_scoped3A : memref<!tpu.dma_semaphore, #tpu.memory_space<semaphore_mem>>) src(%dma_wait3A_136 : memref<128xi32, #tpu.memory_space<hbm>>) dst(%arg9 : memref<128xi32, #tpu.memory_space<vmem>>)
        tpu.yield
      }) : () -> ()
      %mul3A_125 = arith.constant 32 : i32
      %mul3A_126 = arith.muli %mul3A_125, %add3A_119 : i32
      %add3A_127 = arith.addi %add3A, %mul3A_126 : i32
      %mul3A_128 = arith.constant 128 : i32
      %mul3A_129 = arith.muli %add3A_127, %mul3A_128 : i32
      "tpu.region"() ({
        %run_scoped3A = tpu.sem_alloc : memref<!tpu.dma_semaphore, #tpu.memory_space<semaphore_mem>>
        %dma_start3A_133 = tpu.memref_slice %arg4[%mul3A_129] : memref<320000xi32, #tpu.memory_space<hbm>> -> memref<128xi32, #tpu.memory_space<hbm>>
        %dma_start3A_134 = tpu.memref_slice %arg4[%mul3A_129] : memref<320000xi32, #tpu.memory_space<hbm>> -> memref<128xi32, #tpu.memory_space<hbm>>
        tpu.enqueue_dma source(%dma_start3A_134 : memref<128xi32, #tpu.memory_space<hbm>>) target(%arg12 : memref<128xi32, #tpu.memory_space<vmem>>) target_semaphore(%run_scoped3A : memref<!tpu.dma_semaphore, #tpu.memory_space<semaphore_mem>>)
        %dma_wait3A_135 = tpu.memref_slice %arg4[%mul3A_129] : memref<320000xi32, #tpu.memory_space<hbm>> -> memref<128xi32, #tpu.memory_space<hbm>>
        %dma_wait3A_136 = tpu.memref_slice %arg4[%mul3A_129] : memref<320000xi32, #tpu.memory_space<hbm>> -> memref<128xi32, #tpu.memory_space<hbm>>
        tpu.wait_dma2 semaphore(%run_scoped3A : memref<!tpu.dma_semaphore, #tpu.memory_space<semaphore_mem>>) src(%dma_wait3A_136 : memref<128xi32, #tpu.memory_space<hbm>>) dst(%arg12 : memref<128xi32, #tpu.memory_space<vmem>>)
        tpu.yield
      }) : () -> ()
      %dma_start3A_130 = arith.constant 0 : i32
      %dma_start3A_131 = arith.constant 0 : i32
      %dma_start3A_132 = tpu.memref_slice %arg2[%dma_start3A_130, %dma_start3A_131] : memref<10000x32xf32, #tpu.memory_space<hbm>> -> memref<10000x32xf32, #tpu.memory_space<hbm>>
      tpu.enqueue_indirect_dma source(%dma_start3A_132 : memref<10000x32xf32, #tpu.memory_space<hbm>>) target(%arg15 : memref<128x32xf32, #tpu.memory_space<vmem>>) offsets(%arg9 : memref<128xi32, #tpu.memory_space<vmem>>) semaphore(%arg20 : memref<!tpu.dma_semaphore, #tpu.memory_space<semaphore_mem>>)
    }
    %scan3A_41 = arith.constant 25 : i32
    %dma_wait3A = arith.constant 0 : i32
    %dma_wait3A_42 = arith.constant 0 : i32
    %dma_wait3A_43 = tpu.memref_slice %arg2[%dma_wait3A, %dma_wait3A_42] : memref<10000x32xf32, #tpu.memory_space<hbm>> -> memref<10000x32xf32, #tpu.memory_space<hbm>>
    tpu.wait_indirect_dma semaphore(%arg18 : memref<!tpu.dma_semaphore, #tpu.memory_space<semaphore_mem>>) src(%dma_wait3A_43 : memref<10000x32xf32, #tpu.memory_space<hbm>>) dst(%arg13 : memref<128x32xf32, #tpu.memory_space<vmem>>)
    "tpu.region"() ({
      %run_scoped3A = tpu.sem_alloc : memref<!tpu.dma_semaphore, #tpu.memory_space<semaphore_mem>>
      %dma_start3A_66 = arith.constant 0 : i32
      %dma_start3A_67 = arith.constant 0 : i32
      %dma_start3A_68 = tpu.memref_slice %arg17[%dma_start3A_66, %dma_start3A_67] : memref<10240x32xf32, #tpu.memory_space<vmem_shared>> -> memref<10240x32xf32, #tpu.memory_space<vmem_shared>>
      tpu.enqueue_indirect_dma source(%arg13 : memref<128x32xf32, #tpu.memory_space<vmem>>) target(%dma_start3A_68 : memref<10240x32xf32, #tpu.memory_space<vmem_shared>>) offsets(%arg10 : memref<128xi32, #tpu.memory_space<vmem>>) semaphore(%run_scoped3A : memref<!tpu.dma_semaphore, #tpu.memory_space<semaphore_mem>>) {add = true}
      %dma_wait3A_69 = arith.constant 0 : i32
      %dma_wait3A_70 = arith.constant 0 : i32
      %dma_wait3A_71 = tpu.memref_slice %arg17[%dma_wait3A_69, %dma_wait3A_70] : memref<10240x32xf32, #tpu.memory_space<vmem_shared>> -> memref<10240x32xf32, #tpu.memory_space<vmem_shared>>
      tpu.wait_indirect_dma semaphore(%run_scoped3A : memref<!tpu.dma_semaphore, #tpu.memory_space<semaphore_mem>>) src(%arg13 : memref<128x32xf32, #tpu.memory_space<vmem>>) dst(%dma_wait3A_71 : memref<10240x32xf32, #tpu.memory_space<vmem_shared>>)
      tpu.yield
    }) : () -> ()
    %dma_wait3A_44 = arith.constant 0 : i32
    %dma_wait3A_45 = arith.constant 0 : i32
    %dma_wait3A_46 = tpu.memref_slice %arg2[%dma_wait3A_44, %dma_wait3A_45] : memref<10000x32xf32, #tpu.memory_space<hbm>> -> memref<10000x32xf32, #tpu.memory_space<hbm>>
    tpu.wait_indirect_dma semaphore(%arg19 : memref<!tpu.dma_semaphore, #tpu.memory_space<semaphore_mem>>) src(%dma_wait3A_46 : memref<10000x32xf32, #tpu.memory_space<hbm>>) dst(%arg14 : memref<128x32xf32, #tpu.memory_space<vmem>>)
    "tpu.region"() ({
      %run_scoped3A = tpu.sem_alloc : memref<!tpu.dma_semaphore, #tpu.memory_space<semaphore_mem>>
      %dma_start3A_66 = arith.constant 0 : i32
      %dma_start3A_67 = arith.constant 0 : i32
      %dma_start3A_68 = tpu.memref_slice %arg17[%dma_start3A_66, %dma_start3A_67] : memref<10240x32xf32, #tpu.memory_space<vmem_shared>> -> memref<10240x32xf32, #tpu.memory_space<vmem_shared>>
      tpu.enqueue_indirect_dma source(%arg14 : memref<128x32xf32, #tpu.memory_space<vmem>>) target(%dma_start3A_68 : memref<10240x32xf32, #tpu.memory_space<vmem_shared>>) offsets(%arg11 : memref<128xi32, #tpu.memory_space<vmem>>) semaphore(%run_scoped3A : memref<!tpu.dma_semaphore, #tpu.memory_space<semaphore_mem>>) {add = true}
      %dma_wait3A_69 = arith.constant 0 : i32
      %dma_wait3A_70 = arith.constant 0 : i32
      %dma_wait3A_71 = tpu.memref_slice %arg17[%dma_wait3A_69, %dma_wait3A_70] : memref<10240x32xf32, #tpu.memory_space<vmem_shared>> -> memref<10240x32xf32, #tpu.memory_space<vmem_shared>>
      tpu.wait_indirect_dma semaphore(%run_scoped3A : memref<!tpu.dma_semaphore, #tpu.memory_space<semaphore_mem>>) src(%arg14 : memref<128x32xf32, #tpu.memory_space<vmem>>) dst(%dma_wait3A_71 : memref<10240x32xf32, #tpu.memory_space<vmem_shared>>)
      tpu.yield
    }) : () -> ()
    %dma_wait3A_47 = arith.constant 0 : i32
    %dma_wait3A_48 = arith.constant 0 : i32
    %dma_wait3A_49 = tpu.memref_slice %arg2[%dma_wait3A_47, %dma_wait3A_48] : memref<10000x32xf32, #tpu.memory_space<hbm>> -> memref<10000x32xf32, #tpu.memory_space<hbm>>
    tpu.wait_indirect_dma semaphore(%arg20 : memref<!tpu.dma_semaphore, #tpu.memory_space<semaphore_mem>>) src(%dma_wait3A_49 : memref<10000x32xf32, #tpu.memory_space<hbm>>) dst(%arg15 : memref<128x32xf32, #tpu.memory_space<vmem>>)
    "tpu.region"() ({
      %run_scoped3A = tpu.sem_alloc : memref<!tpu.dma_semaphore, #tpu.memory_space<semaphore_mem>>
      %dma_start3A_66 = arith.constant 0 : i32
      %dma_start3A_67 = arith.constant 0 : i32
      %dma_start3A_68 = tpu.memref_slice %arg17[%dma_start3A_66, %dma_start3A_67] : memref<10240x32xf32, #tpu.memory_space<vmem_shared>> -> memref<10240x32xf32, #tpu.memory_space<vmem_shared>>
      tpu.enqueue_indirect_dma source(%arg15 : memref<128x32xf32, #tpu.memory_space<vmem>>) target(%dma_start3A_68 : memref<10240x32xf32, #tpu.memory_space<vmem_shared>>) offsets(%arg12 : memref<128xi32, #tpu.memory_space<vmem>>) semaphore(%run_scoped3A : memref<!tpu.dma_semaphore, #tpu.memory_space<semaphore_mem>>) {add = true}
      %dma_wait3A_69 = arith.constant 0 : i32
      %dma_wait3A_70 = arith.constant 0 : i32
      %dma_wait3A_71 = tpu.memref_slice %arg17[%dma_wait3A_69, %dma_wait3A_70] : memref<10240x32xf32, #tpu.memory_space<vmem_shared>> -> memref<10240x32xf32, #tpu.memory_space<vmem_shared>>
      tpu.wait_indirect_dma semaphore(%run_scoped3A : memref<!tpu.dma_semaphore, #tpu.memory_space<semaphore_mem>>) src(%arg15 : memref<128x32xf32, #tpu.memory_space<vmem>>) dst(%dma_wait3A_71 : memref<10240x32xf32, #tpu.memory_space<vmem_shared>>)
      tpu.yield
    }) : () -> ()
    %lt3A = arith.constant 4 : i32
    %lt3A_50 = arith.cmpi slt, %add3A, %lt3A : i32
    %jit3A = arith.constant 1 : i32
    %jit3A_51 = arith.constant 0 : i32
    %select_n3A = arith.select %lt3A_50, %jit3A, %jit3A_51 : i32
    %add3A_52 = arith.constant 78 : i32
    %add3A_53 = arith.addi %add3A_52, %select_n3A : i32
    %while3A = arith.constant 0 : i32
    %while3A_54 = arith.constant 78 : i32
    %while3A_55 = arith.subi %add3A_53, %while3A_54 : i32
    %while3A_56 = arith.addi %while3A_54, %while3A_55 : i32
    %while3A_57 = arith.constant 1 : i32
    %while3A_58 = arith.divsi %while3A_55, %while3A_57 : i32
    %while3A_59 = arith.muli %while3A_58, %while3A_57 : i32
    %while3A_60 = arith.addi %while3A_54, %while3A_59 : i32
    %while3A_61 = arith.constant 1 : i32
    scf.for %while3A_66 = %while3A_54 to %while3A_60 step %while3A_61  : i32 {
      %mul3A_67 = arith.constant 32 : i32
      %mul3A_68 = arith.muli %mul3A_67, %while3A_66 : i32
      %add3A_69 = arith.addi %add3A, %mul3A_68 : i32
      %mul3A_70 = arith.constant 128 : i32
      %mul3A_71 = arith.muli %add3A_69, %mul3A_70 : i32
      "tpu.region"() ({
        %run_scoped3A = tpu.sem_alloc : memref<!tpu.dma_semaphore, #tpu.memory_space<semaphore_mem>>
        %dma_start3A_83 = tpu.memref_slice %arg3[%mul3A_71] : memref<320000xi32, #tpu.memory_space<hbm>> -> memref<128xi32, #tpu.memory_space<hbm>>
        %dma_start3A_84 = tpu.memref_slice %arg3[%mul3A_71] : memref<320000xi32, #tpu.memory_space<hbm>> -> memref<128xi32, #tpu.memory_space<hbm>>
        tpu.enqueue_dma source(%dma_start3A_84 : memref<128xi32, #tpu.memory_space<hbm>>) target(%arg7 : memref<128xi32, #tpu.memory_space<vmem>>) target_semaphore(%run_scoped3A : memref<!tpu.dma_semaphore, #tpu.memory_space<semaphore_mem>>)
        %dma_wait3A_85 = tpu.memref_slice %arg3[%mul3A_71] : memref<320000xi32, #tpu.memory_space<hbm>> -> memref<128xi32, #tpu.memory_space<hbm>>
        %dma_wait3A_86 = tpu.memref_slice %arg3[%mul3A_71] : memref<320000xi32, #tpu.memory_space<hbm>> -> memref<128xi32, #tpu.memory_space<hbm>>
        tpu.wait_dma2 semaphore(%run_scoped3A : memref<!tpu.dma_semaphore, #tpu.memory_space<semaphore_mem>>) src(%dma_wait3A_86 : memref<128xi32, #tpu.memory_space<hbm>>) dst(%arg7 : memref<128xi32, #tpu.memory_space<vmem>>)
        tpu.yield
      }) : () -> ()
      %mul3A_72 = arith.constant 32 : i32
      %mul3A_73 = arith.muli %mul3A_72, %while3A_66 : i32
      %add3A_74 = arith.addi %add3A, %mul3A_73 : i32
      %mul3A_75 = arith.constant 128 : i32
      %mul3A_76 = arith.muli %add3A_74, %mul3A_75 : i32
      "tpu.region"() ({
        %run_scoped3A = tpu.sem_alloc : memref<!tpu.dma_semaphore, #tpu.memory_space<semaphore_mem>>
        %dma_start3A_83 = tpu.memref_slice %arg4[%mul3A_76] : memref<320000xi32, #tpu.memory_space<hbm>> -> memref<128xi32, #tpu.memory_space<hbm>>
        %dma_start3A_84 = tpu.memref_slice %arg4[%mul3A_76] : memref<320000xi32, #tpu.memory_space<hbm>> -> memref<128xi32, #tpu.memory_space<hbm>>
        tpu.enqueue_dma source(%dma_start3A_84 : memref<128xi32, #tpu.memory_space<hbm>>) target(%arg10 : memref<128xi32, #tpu.memory_space<vmem>>) target_semaphore(%run_scoped3A : memref<!tpu.dma_semaphore, #tpu.memory_space<semaphore_mem>>)
        %dma_wait3A_85 = tpu.memref_slice %arg4[%mul3A_76] : memref<320000xi32, #tpu.memory_space<hbm>> -> memref<128xi32, #tpu.memory_space<hbm>>
        %dma_wait3A_86 = tpu.memref_slice %arg4[%mul3A_76] : memref<320000xi32, #tpu.memory_space<hbm>> -> memref<128xi32, #tpu.memory_space<hbm>>
        tpu.wait_dma2 semaphore(%run_scoped3A : memref<!tpu.dma_semaphore, #tpu.memory_space<semaphore_mem>>) src(%dma_wait3A_86 : memref<128xi32, #tpu.memory_space<hbm>>) dst(%arg10 : memref<128xi32, #tpu.memory_space<vmem>>)
        tpu.yield
      }) : () -> ()
      %dma_start3A_77 = arith.constant 0 : i32
      %dma_start3A_78 = arith.constant 0 : i32
      %dma_start3A_79 = tpu.memref_slice %arg2[%dma_start3A_77, %dma_start3A_78] : memref<10000x32xf32, #tpu.memory_space<hbm>> -> memref<10000x32xf32, #tpu.memory_space<hbm>>
      tpu.enqueue_indirect_dma source(%dma_start3A_79 : memref<10000x32xf32, #tpu.memory_space<hbm>>) target(%arg13 : memref<128x32xf32, #tpu.memory_space<vmem>>) offsets(%arg7 : memref<128xi32, #tpu.memory_space<vmem>>) semaphore(%arg18 : memref<!tpu.dma_semaphore, #tpu.memory_space<semaphore_mem>>)
      %dma_wait3A_80 = arith.constant 0 : i32
      %dma_wait3A_81 = arith.constant 0 : i32
      %dma_wait3A_82 = tpu.memref_slice %arg2[%dma_wait3A_80, %dma_wait3A_81] : memref<10000x32xf32, #tpu.memory_space<hbm>> -> memref<10000x32xf32, #tpu.memory_space<hbm>>
      tpu.wait_indirect_dma semaphore(%arg18 : memref<!tpu.dma_semaphore, #tpu.memory_space<semaphore_mem>>) src(%dma_wait3A_82 : memref<10000x32xf32, #tpu.memory_space<hbm>>) dst(%arg13 : memref<128x32xf32, #tpu.memory_space<vmem>>)
      "tpu.region"() ({
        %run_scoped3A = tpu.sem_alloc : memref<!tpu.dma_semaphore, #tpu.memory_space<semaphore_mem>>
        %dma_start3A_83 = arith.constant 0 : i32
        %dma_start3A_84 = arith.constant 0 : i32
        %dma_start3A_85 = tpu.memref_slice %arg17[%dma_start3A_83, %dma_start3A_84] : memref<10240x32xf32, #tpu.memory_space<vmem_shared>> -> memref<10240x32xf32, #tpu.memory_space<vmem_shared>>
        tpu.enqueue_indirect_dma source(%arg13 : memref<128x32xf32, #tpu.memory_space<vmem>>) target(%dma_start3A_85 : memref<10240x32xf32, #tpu.memory_space<vmem_shared>>) offsets(%arg10 : memref<128xi32, #tpu.memory_space<vmem>>) semaphore(%run_scoped3A : memref<!tpu.dma_semaphore, #tpu.memory_space<semaphore_mem>>) {add = true}
        %dma_wait3A_86 = arith.constant 0 : i32
        %dma_wait3A_87 = arith.constant 0 : i32
        %dma_wait3A_88 = tpu.memref_slice %arg17[%dma_wait3A_86, %dma_wait3A_87] : memref<10240x32xf32, #tpu.memory_space<vmem_shared>> -> memref<10240x32xf32, #tpu.memory_space<vmem_shared>>
        tpu.wait_indirect_dma semaphore(%run_scoped3A : memref<!tpu.dma_semaphore, #tpu.memory_space<semaphore_mem>>) src(%arg13 : memref<128x32xf32, #tpu.memory_space<vmem>>) dst(%dma_wait3A_88 : memref<10240x32xf32, #tpu.memory_space<vmem_shared>>)
        tpu.yield
      }) : () -> ()
    }
    %while3A_62 = arith.constant 1 : i32
    scf.for %while3A_66 = %while3A_60 to %while3A_56 step %while3A_62  : i32 {
      %mul3A_67 = arith.constant 32 : i32
      %mul3A_68 = arith.muli %mul3A_67, %while3A_66 : i32
      %add3A_69 = arith.addi %add3A, %mul3A_68 : i32
      %mul3A_70 = arith.constant 128 : i32
      %mul3A_71 = arith.muli %add3A_69, %mul3A_70 : i32
      "tpu.region"() ({
        %run_scoped3A = tpu.sem_alloc : memref<!tpu.dma_semaphore, #tpu.memory_space<semaphore_mem>>
        %dma_start3A_83 = tpu.memref_slice %arg3[%mul3A_71] : memref<320000xi32, #tpu.memory_space<hbm>> -> memref<128xi32, #tpu.memory_space<hbm>>
        %dma_start3A_84 = tpu.memref_slice %arg3[%mul3A_71] : memref<320000xi32, #tpu.memory_space<hbm>> -> memref<128xi32, #tpu.memory_space<hbm>>
        tpu.enqueue_dma source(%dma_start3A_84 : memref<128xi32, #tpu.memory_space<hbm>>) target(%arg7 : memref<128xi32, #tpu.memory_space<vmem>>) target_semaphore(%run_scoped3A : memref<!tpu.dma_semaphore, #tpu.memory_space<semaphore_mem>>)
        %dma_wait3A_85 = tpu.memref_slice %arg3[%mul3A_71] : memref<320000xi32, #tpu.memory_space<hbm>> -> memref<128xi32, #tpu.memory_space<hbm>>
        %dma_wait3A_86 = tpu.memref_slice %arg3[%mul3A_71] : memref<320000xi32, #tpu.memory_space<hbm>> -> memref<128xi32, #tpu.memory_space<hbm>>
        tpu.wait_dma2 semaphore(%run_scoped3A : memref<!tpu.dma_semaphore, #tpu.memory_space<semaphore_mem>>) src(%dma_wait3A_86 : memref<128xi32, #tpu.memory_space<hbm>>) dst(%arg7 : memref<128xi32, #tpu.memory_space<vmem>>)
        tpu.yield
      }) : () -> ()
      %mul3A_72 = arith.constant 32 : i32
      %mul3A_73 = arith.muli %mul3A_72, %while3A_66 : i32
      %add3A_74 = arith.addi %add3A, %mul3A_73 : i32
      %mul3A_75 = arith.constant 128 : i32
      %mul3A_76 = arith.muli %add3A_74, %mul3A_75 : i32
      "tpu.region"() ({
        %run_scoped3A = tpu.sem_alloc : memref<!tpu.dma_semaphore, #tpu.memory_space<semaphore_mem>>
        %dma_start3A_83 = tpu.memref_slice %arg4[%mul3A_76] : memref<320000xi32, #tpu.memory_space<hbm>> -> memref<128xi32, #tpu.memory_space<hbm>>
        %dma_start3A_84 = tpu.memref_slice %arg4[%mul3A_76] : memref<320000xi32, #tpu.memory_space<hbm>> -> memref<128xi32, #tpu.memory_space<hbm>>
        tpu.enqueue_dma source(%dma_start3A_84 : memref<128xi32, #tpu.memory_space<hbm>>) target(%arg10 : memref<128xi32, #tpu.memory_space<vmem>>) target_semaphore(%run_scoped3A : memref<!tpu.dma_semaphore, #tpu.memory_space<semaphore_mem>>)
        %dma_wait3A_85 = tpu.memref_slice %arg4[%mul3A_76] : memref<320000xi32, #tpu.memory_space<hbm>> -> memref<128xi32, #tpu.memory_space<hbm>>
        %dma_wait3A_86 = tpu.memref_slice %arg4[%mul3A_76] : memref<320000xi32, #tpu.memory_space<hbm>> -> memref<128xi32, #tpu.memory_space<hbm>>
        tpu.wait_dma2 semaphore(%run_scoped3A : memref<!tpu.dma_semaphore, #tpu.memory_space<semaphore_mem>>) src(%dma_wait3A_86 : memref<128xi32, #tpu.memory_space<hbm>>) dst(%arg10 : memref<128xi32, #tpu.memory_space<vmem>>)
        tpu.yield
      }) : () -> ()
      %dma_start3A_77 = arith.constant 0 : i32
      %dma_start3A_78 = arith.constant 0 : i32
      %dma_start3A_79 = tpu.memref_slice %arg2[%dma_start3A_77, %dma_start3A_78] : memref<10000x32xf32, #tpu.memory_space<hbm>> -> memref<10000x32xf32, #tpu.memory_space<hbm>>
      tpu.enqueue_indirect_dma source(%dma_start3A_79 : memref<10000x32xf32, #tpu.memory_space<hbm>>) target(%arg13 : memref<128x32xf32, #tpu.memory_space<vmem>>) offsets(%arg7 : memref<128xi32, #tpu.memory_space<vmem>>) semaphore(%arg18 : memref<!tpu.dma_semaphore, #tpu.memory_space<semaphore_mem>>)
      %dma_wait3A_80 = arith.constant 0 : i32
      %dma_wait3A_81 = arith.constant 0 : i32
      %dma_wait3A_82 = tpu.memref_slice %arg2[%dma_wait3A_80, %dma_wait3A_81] : memref<10000x32xf32, #tpu.memory_space<hbm>> -> memref<10000x32xf32, #tpu.memory_space<hbm>>
      tpu.wait_indirect_dma semaphore(%arg18 : memref<!tpu.dma_semaphore, #tpu.memory_space<semaphore_mem>>) src(%dma_wait3A_82 : memref<10000x32xf32, #tpu.memory_space<hbm>>) dst(%arg13 : memref<128x32xf32, #tpu.memory_space<vmem>>)
      "tpu.region"() ({
        %run_scoped3A = tpu.sem_alloc : memref<!tpu.dma_semaphore, #tpu.memory_space<semaphore_mem>>
        %dma_start3A_83 = arith.constant 0 : i32
        %dma_start3A_84 = arith.constant 0 : i32
        %dma_start3A_85 = tpu.memref_slice %arg17[%dma_start3A_83, %dma_start3A_84] : memref<10240x32xf32, #tpu.memory_space<vmem_shared>> -> memref<10240x32xf32, #tpu.memory_space<vmem_shared>>
        tpu.enqueue_indirect_dma source(%arg13 : memref<128x32xf32, #tpu.memory_space<vmem>>) target(%dma_start3A_85 : memref<10240x32xf32, #tpu.memory_space<vmem_shared>>) offsets(%arg10 : memref<128xi32, #tpu.memory_space<vmem>>) semaphore(%run_scoped3A : memref<!tpu.dma_semaphore, #tpu.memory_space<semaphore_mem>>) {add = true}
        %dma_wait3A_86 = arith.constant 0 : i32
        %dma_wait3A_87 = arith.constant 0 : i32
        %dma_wait3A_88 = tpu.memref_slice %arg17[%dma_wait3A_86, %dma_wait3A_87] : memref<10240x32xf32, #tpu.memory_space<vmem_shared>> -> memref<10240x32xf32, #tpu.memory_space<vmem_shared>>
        tpu.wait_indirect_dma semaphore(%run_scoped3A : memref<!tpu.dma_semaphore, #tpu.memory_space<semaphore_mem>>) src(%arg13 : memref<128x32xf32, #tpu.memory_space<vmem>>) dst(%dma_wait3A_88 : memref<10240x32xf32, #tpu.memory_space<vmem_shared>>)
        tpu.yield
      }) : () -> ()
    }
    %barrier3A_63 = arith.constant 0 : index
    tpu.barrier barrier_id(%barrier3A_63)
    %mul3A_64 = arith.constant 640 : i32
    %mul3A_65 = arith.muli %arg1, %mul3A_64 : i32
    "tpu.region"() ({
      %run_scoped3A = tpu.sem_alloc : memref<!tpu.dma_semaphore, #tpu.memory_space<semaphore_mem>>
      %dma_start3A_66 = arith.constant 0 : i32
      %dma_start3A_67 = arith.constant 0 : i32
      %dma_start3A_68 = tpu.memref_slice %arg6[%add3A, %dma_start3A_66, %dma_start3A_67] : memref<32x640x32xf32, #tpu.memory_space<hbm>> -> memref<1x640x32xf32, #tpu.memory_space<hbm>>
      %dma_start3A_69 = tpu.memref_squeeze %dma_start3A_68 : memref<1x640x32xf32, #tpu.memory_space<hbm>> -> memref<640x32xf32, #tpu.memory_space<hbm>>
      %dma_start3A_70 = arith.constant 0 : i32
      %dma_start3A_71 = tpu.memref_slice %arg17[%mul3A_65, %dma_start3A_70] : memref<10240x32xf32, #tpu.memory_space<vmem_shared>> -> memref<640x32xf32, #tpu.memory_space<vmem_shared>>
      tpu.enqueue_dma source(%dma_start3A_71 : memref<640x32xf32, #tpu.memory_space<vmem_shared>>) target(%dma_start3A_69 : memref<640x32xf32, #tpu.memory_space<hbm>>) target_semaphore(%run_scoped3A : memref<!tpu.dma_semaphore, #tpu.memory_space<semaphore_mem>>)
      %dma_wait3A_72 = arith.constant 0 : i32
      %dma_wait3A_73 = arith.constant 0 : i32
      %dma_wait3A_74 = tpu.memref_slice %arg6[%add3A, %dma_wait3A_72, %dma_wait3A_73] : memref<32x640x32xf32, #tpu.memory_space<hbm>> -> memref<1x640x32xf32, #tpu.memory_space<hbm>>
      %dma_wait3A_75 = tpu.memref_squeeze %dma_wait3A_74 : memref<1x640x32xf32, #tpu.memory_space<hbm>> -> memref<640x32xf32, #tpu.memory_space<hbm>>
      %dma_wait3A_76 = arith.constant 0 : i32
      %dma_wait3A_77 = tpu.memref_slice %arg17[%mul3A_65, %dma_wait3A_76] : memref<10240x32xf32, #tpu.memory_space<vmem_shared>> -> memref<640x32xf32, #tpu.memory_space<vmem_shared>>
      tpu.wait_dma2 semaphore(%run_scoped3A : memref<!tpu.dma_semaphore, #tpu.memory_space<semaphore_mem>>) src(%dma_wait3A_77 : memref<640x32xf32, #tpu.memory_space<vmem_shared>>) dst(%dma_wait3A_75 : memref<640x32xf32, #tpu.memory_space<hbm>>)
      tpu.yield
    }) : () -> ()
    return
  }
}

module attributes {stable_mosaic.version = 14 : i64} {
  func.func @_tcmm_body(%arg0: memref<10000x128xf32, #tpu.memory_space<vmem>>, %arg1: memref<128x32xf32, #tpu.memory_space<vmem>>, %arg2: memref<10000x32xf32, #tpu.memory_space<vmem>>) attributes {dimension_semantics = [], scalar_prefetch = 0 : i64, scratch_operands = 0 : i64, tpu.core_type = #tpu.core_type<tc>} {
    %get3A = arith.constant 0 : index
    %get3A_0 = arith.constant 0 : index
    %get3A_1 = vector.load %arg0[%get3A, %get3A_0] : memref<10000x128xf32, #tpu.memory_space<vmem>>, vector<10000x128xf32>
    %get3A_2 = arith.constant 0 : index
    %get3A_3 = arith.constant 0 : index
    %get3A_4 = vector.load %arg1[%get3A_2, %get3A_3] : memref<128x32xf32, #tpu.memory_space<vmem>>, vector<128x32xf32>
    %dot_general3A = arith.constant dense<0.000000e+00> : vector<10000x32xf32>
    %dot_general3A_5 = tpu.matmul %get3A_1, %get3A_4, %dot_general3A {dimension_numbers = #tpu.dot_dimension_numbers<[1], [0], [0], [1], [0, 0, 1, 1], [], []>, transpose_lhs_hint = false} : vector<10000x128xf32>, vector<128x32xf32>, vector<10000x32xf32> -> vector<10000x32xf32>
    %swap3A = arith.constant 0 : index
    %swap3A_6 = arith.constant 0 : index
    %swap3A_7 = vector.load %arg2[%swap3A, %swap3A_6] : memref<10000x32xf32, #tpu.memory_space<vmem>>, vector<10000x32xf32>
    tpu.vector_store %arg2[%swap3A, %swap3A_6], %dot_general3A_5 {strides = array<i32>} : memref<10000x32xf32, #tpu.memory_space<vmem>>, vector<10000x32xf32>,
    return
  }
}

module attributes {stable_mosaic.version = 14 : i64} {
  func.func @_tcscale_body(%arg0: memref<2x10000xf32, #tpu.memory_space<vmem>>, %arg1: memref<10000x32xf32, #tpu.memory_space<vmem>>, %arg2: memref<10000x32xf32, #tpu.memory_space<vmem>>, %arg3: memref<10000x1xf32, #tpu.memory_space<vmem>>) attributes {dimension_semantics = [], scalar_prefetch = 0 : i64, scratch_operands = 0 : i64, tpu.core_type = #tpu.core_type<tc>} {
    %get3A = arith.constant 0 : index
    %get3A_0 = arith.constant 0 : index
    %get3A_1 = vector.load %arg0[%get3A, %get3A_0] : memref<2x10000xf32, #tpu.memory_space<vmem>>, vector<2x10000xf32>
    %slice3A = vector.extract_strided_slice %get3A_1 {offsets = [0, 0], sizes = [1, 10000], strides = [1, 1]} : vector<2x10000xf32> to vector<1x10000xf32>
    %squeeze3A = vector.shape_cast %slice3A : vector<1x10000xf32> to vector<10000xf32>
    %slice3A_2 = vector.extract_strided_slice %get3A_1 {offsets = [1, 0], sizes = [1, 10000], strides = [1, 1]} : vector<2x10000xf32> to vector<1x10000xf32>
    %squeeze3A_3 = vector.shape_cast %slice3A_2 : vector<1x10000xf32> to vector<10000xf32>
    %add3A = arith.addf %squeeze3A, %squeeze3A_3 : vector<10000xf32>
    %add3A_4 = arith.constant 1.000000e+00 : f32
    %add3A_5 = vector.broadcast %add3A_4 : f32 to vector<10000xf32>
    %add3A_6 = arith.addf %add3A, %add3A_5 : vector<10000xf32>
    %rsqrt3A = math.rsqrt %add3A_6 : vector<10000xf32>
    %broadcast_in_dim3A = vector.shape_cast %rsqrt3A : vector<10000xf32> to vector<10000x1xf32>
    %get3A_7 = arith.constant 0 : index
    %get3A_8 = arith.constant 0 : index
    %get3A_9 = vector.load %arg1[%get3A_7, %get3A_8] : memref<10000x32xf32, #tpu.memory_space<vmem>>, vector<10000x32xf32>
    %mul3A = vector.broadcast %broadcast_in_dim3A : vector<10000x1xf32> to vector<10000x32xf32>
    %mul3A_10 = arith.mulf %get3A_9, %mul3A : vector<10000x32xf32>
    %swap3A = arith.constant 0 : index
    %swap3A_11 = arith.constant 0 : index
    %swap3A_12 = vector.load %arg2[%swap3A, %swap3A_11] : memref<10000x32xf32, #tpu.memory_space<vmem>>, vector<10000x32xf32>
    tpu.vector_store %arg2[%swap3A, %swap3A_11], %mul3A_10 {strides = array<i32>} : memref<10000x32xf32, #tpu.memory_space<vmem>>, vector<10000x32xf32>,
    %swap3A_13 = arith.constant 0 : index
    %swap3A_14 = arith.constant 0 : index
    %swap3A_15 = vector.load %arg3[%swap3A_13, %swap3A_14] : memref<10000x1xf32, #tpu.memory_space<vmem>>, vector<10000x1xf32>
    tpu.vector_store %arg3[%swap3A_13, %swap3A_14], %broadcast_in_dim3A {strides = array<i32>} : memref<10000x1xf32, #tpu.memory_space<vmem>>, vector<10000x1xf32>,
    return
  }
}

module attributes {stable_mosaic.version = 14 : i64} {
  func.func @_tcb_body(%arg0: memref<2x10000x32xf32, #tpu.memory_space<vmem>>, %arg1: memref<10000x32xf32, #tpu.memory_space<vmem>>, %arg2: memref<10000x1xf32, #tpu.memory_space<vmem>>, %arg3: memref<10000x1xi32, #tpu.memory_space<vmem>>, %arg4: memref<1x32xf32, #tpu.memory_space<vmem>>, %arg5: memref<32x1xf32, #tpu.memory_space<vmem>>, %arg6: memref<32x1xf32, #tpu.memory_space<vmem>>, %arg7: memref<1x1xf32, #tpu.memory_space<vmem>>, %arg8: memref<1x64xf32, #tpu.memory_space<vmem>>) attributes {dimension_semantics = [], scalar_prefetch = 0 : i64, scratch_operands = 0 : i64, tpu.core_type = #tpu.core_type<tc>} {
    %get3A = arith.constant 0 : index
    %get3A_0 = arith.constant 0 : index
    %get3A_1 = arith.constant 0 : index
    %get3A_2 = vector.load %arg0[%get3A, %get3A_0, %get3A_1] : memref<2x10000x32xf32, #tpu.memory_space<vmem>>, vector<2x10000x32xf32>
    %get3A_3 = arith.constant 0 : index
    %get3A_4 = arith.constant 0 : index
    %get3A_5 = vector.load %arg1[%get3A_3, %get3A_4] : memref<10000x32xf32, #tpu.memory_space<vmem>>, vector<10000x32xf32>
    %get3A_6 = arith.constant 0 : index
    %get3A_7 = arith.constant 0 : index
    %get3A_8 = vector.load %arg2[%get3A_6, %get3A_7] : memref<10000x1xf32, #tpu.memory_space<vmem>>, vector<10000x1xf32>
    %slice3A = vector.extract_strided_slice %get3A_2 {offsets = [0, 0, 0], sizes = [1, 10000, 32], strides = [1, 1, 1]} : vector<2x10000x32xf32> to vector<1x10000x32xf32>
    %squeeze3A = vector.shape_cast %slice3A : vector<1x10000x32xf32> to vector<10000x32xf32>
    %slice3A_9 = vector.extract_strided_slice %get3A_2 {offsets = [1, 0, 0], sizes = [1, 10000, 32], strides = [1, 1, 1]} : vector<2x10000x32xf32> to vector<1x10000x32xf32>
    %squeeze3A_10 = vector.shape_cast %slice3A_9 : vector<1x10000x32xf32> to vector<10000x32xf32>
    %add3A = arith.addf %squeeze3A, %squeeze3A_10 : vector<10000x32xf32>
    %add3A_11 = arith.addf %add3A, %get3A_5 : vector<10000x32xf32>
    %mul3A = vector.broadcast %get3A_8 : vector<10000x1xf32> to vector<10000x32xf32>
    %mul3A_12 = arith.mulf %mul3A, %add3A_11 : vector<10000x32xf32>
    %get3A_13 = arith.constant 0 : index
    %get3A_14 = arith.constant 0 : index
    %get3A_15 = vector.load %arg4[%get3A_13, %get3A_14] : memref<1x32xf32, #tpu.memory_space<vmem>>, vector<1x32xf32>
    %add3A_16 = vector.broadcast %get3A_15 : vector<1x32xf32> to vector<10000x32xf32>
    %add3A_17 = arith.addf %mul3A_12, %add3A_16 : vector<10000x32xf32>
    %max3A = arith.constant 0.000000e+00 : f32
    %max3A_18 = vector.broadcast %max3A : f32 to vector<10000x32xf32>
    %max3A_19 = arith.maximumf %add3A_17, %max3A_18 : vector<10000x32xf32>
    %get3A_20 = arith.constant 0 : index
    %get3A_21 = arith.constant 0 : index
    %get3A_22 = vector.load %arg5[%get3A_20, %get3A_21] : memref<32x1xf32, #tpu.memory_space<vmem>>, vector<32x1xf32>
    %mul3A_23 = arith.mulf %get3A_22, %get3A_22 : vector<32x1xf32>
    %reduce_sum3A = vector.shape_cast %mul3A_23 : vector<32x1xf32> to vector<1x32x1xf32>
    %reduce_sum3A_24 = arith.constant dense<0.000000e+00> : vector<1xf32>
    %reduce_sum3A_25 = vector.multi_reduction <add>, %reduce_sum3A, %reduce_sum3A_24 [1, 2] : vector<1x32x1xf32> to vector<1xf32>
    %reduce_sum3A_26 = vector.shape_cast %reduce_sum3A_25 : vector<1xf32> to vector<1x1x1xf32>
    %reduce_sum3A_27 = vector.extract %reduce_sum3A_26[0, 0, 0] : f32 from vector<1x1x1xf32>
    %sqrt3A = math.sqrt %reduce_sum3A_27 : f32
    %dot_general3A = arith.constant dense<0.000000e+00> : vector<10000x1xf32>
    %dot_general3A_28 = tpu.matmul %max3A_19, %get3A_22, %dot_general3A {dimension_numbers = #tpu.dot_dimension_numbers<[1], [0], [0], [1], [0, 0, 1, 1], [], []>, transpose_lhs_hint = false} : vector<10000x32xf32>, vector<32x1xf32>, vector<10000x1xf32> -> vector<10000x1xf32>
    %div3A = vector.broadcast %sqrt3A : f32 to vector<10000x1xf32>
    %div3A_29 = arith.divf %dot_general3A_28, %div3A : vector<10000x1xf32>
    %get3A_30 = arith.constant 0 : index
    %get3A_31 = arith.constant 0 : index
    %get3A_32 = vector.load %arg6[%get3A_30, %get3A_31] : memref<32x1xf32, #tpu.memory_space<vmem>>, vector<32x1xf32>
    %dot_general3A_33 = arith.constant dense<0.000000e+00> : vector<10000x1xf32>
    %dot_general3A_34 = tpu.matmul %max3A_19, %get3A_32, %dot_general3A_33 {dimension_numbers = #tpu.dot_dimension_numbers<[1], [0], [0], [1], [0, 0, 1, 1], [], []>, transpose_lhs_hint = false} : vector<10000x32xf32>, vector<32x1xf32>, vector<10000x1xf32> -> vector<10000x1xf32>
    %tanh3A = math.tanh %div3A_29 : vector<10000x1xf32>
    %max3A_35 = arith.constant 0.000000e+00 : f32
    %max3A_36 = vector.broadcast %max3A_35 : f32 to vector<10000x1xf32>
    %max3A_37 = arith.maximumf %tanh3A, %max3A_36 : vector<10000x1xf32>
    %mul3A_38 = arith.mulf %dot_general3A_34, %max3A_37 : vector<10000x1xf32>
    %bitcast_convert_type3A = tpu.bitcast %div3A_29 : vector<10000x1xf32> -> vector<10000x1xi32>
    %ge3A = arith.constant -2147483648 : i32
    %ge3A_39 = vector.broadcast %ge3A : i32 to vector<10000x1xi32>
    %ge3A_40 = arith.cmpi uge, %bitcast_convert_type3A, %ge3A_39 : vector<10000x1xi32>
    %not3A = arith.constant dense<-1> : vector<10000x1xi32>
    %not3A_41 = arith.xori %bitcast_convert_type3A, %not3A : vector<10000x1xi32>
    %or3A = arith.constant -2147483648 : i32
    %or3A_42 = vector.broadcast %or3A : i32 to vector<10000x1xi32>
    %or3A_43 = arith.ori %bitcast_convert_type3A, %or3A_42 : vector<10000x1xi32>
    %select_n3A = arith.select %ge3A_40, %not3A_41, %or3A_43 : vector<10000x1xi1>, vector<10000x1xi32>
    %iota3A = tpu.iota {dimensions = array<i32: 1>} : vector<1x64xi32>
    %get3A_44 = arith.constant 0 : index
    %get3A_45 = arith.constant 0 : index
    %get3A_46 = vector.load %arg3[%get3A_44, %get3A_45] : memref<10000x1xi32, #tpu.memory_space<vmem>>, vector<10000x1xi32>
    %eq3A = vector.broadcast %get3A_46 : vector<10000x1xi32> to vector<10000x64xi32>
    %eq3A_47 = vector.broadcast %iota3A : vector<1x64xi32> to vector<10000x64xi32>
    %eq3A_48 = arith.cmpi eq, %eq3A, %eq3A_47 : vector<10000x64xi32>
    %jit3A = arith.constant 1.000000e+00 : f32
    %jit3A_49 = arith.constant 0.000000e+00 : f32
    %broadcast_in_dim3A = vector.broadcast %jit3A : f32 to vector<10000x64xf32>
    %broadcast_in_dim3A_50 = vector.broadcast %jit3A_49 : f32 to vector<10000x64xf32>
    %select_n3A_51 = arith.select %eq3A_48, %broadcast_in_dim3A, %broadcast_in_dim3A_50 : vector<10000x64xi1>, vector<10000x64xf32>
    %reduce_sum3A_52 = arith.constant dense<0.000000e+00> : vector<64xf32>
    %reduce_sum3A_53 = vector.multi_reduction <add>, %select_n3A_51, %reduce_sum3A_52 [0] : vector<10000x64xf32> to vector<64xf32>
    %broadcast_in_dim3A_54 = vector.shape_cast %reduce_sum3A_53 : vector<64xf32> to vector<1x64xf32>
    %mul3A_55 = arith.constant 8.000000e-01 : f32
    %mul3A_56 = vector.broadcast %mul3A_55 : f32 to vector<1x64xf32>
    %mul3A_57 = arith.mulf %mul3A_56, %broadcast_in_dim3A_54 : vector<1x64xf32>
    %ceil3A = math.ceil %mul3A_57 : vector<1x64xf32>
    %max3A_58 = arith.constant 1.000000e+00 : f32
    %max3A_59 = vector.broadcast %max3A_58 : f32 to vector<1x64xf32>
    %max3A_60 = arith.maximumf %ceil3A, %max3A_59 : vector<1x64xf32>
    %broadcast_in_dim3A_61 = arith.constant 0 : i32
    %broadcast_in_dim3A_62 = vector.broadcast %broadcast_in_dim3A_61 : i32 to vector<1x64xi32>
    %scan3A = arith.constant 1.000000e+00 : f32
    %scan3A_63 = arith.constant 0 : i32
    %scan3A_64 = arith.constant 32 : i32
    %scan3A_65 = arith.addi %scan3A_63, %scan3A_64 : i32
    %scan3A_66 = arith.constant 1 : i32
    %scan3A_67 = scf.for %scan3A_113 = %scan3A_63 to %scan3A_65 step %scan3A_66 iter_args(%scan3A_114 = %broadcast_in_dim3A_62) -> (vector<1x64xi32>)  : i32 {
      %shift_right_logical3A = arith.constant -2147483648 : i32
      %shift_right_logical3A_115 = arith.shrui %shift_right_logical3A, %scan3A_113 : i32
      %or3A_116 = vector.broadcast %shift_right_logical3A_115 : i32 to vector<1x64xi32>
      %or3A_117 = arith.ori %scan3A_114, %or3A_116 : vector<1x64xi32>
      %ge3A_118 = vector.broadcast %select_n3A : vector<10000x1xi32> to vector<10000x64xi32>
      %ge3A_119 = vector.broadcast %or3A_117 : vector<1x64xi32> to vector<10000x64xi32>
      %ge3A_120 = arith.cmpi uge, %ge3A_118, %ge3A_119 : vector<10000x64xi32>
      %and3A_121 = arith.andi %eq3A_48, %ge3A_120 : vector<10000x64xi1>
      %jit3A_122 = arith.constant 0.000000e+00 : f32
      %broadcast_in_dim3A_123 = vector.broadcast %scan3A : f32 to vector<10000x64xf32>
      %broadcast_in_dim3A_124 = vector.broadcast %jit3A_122 : f32 to vector<10000x64xf32>
      %select_n3A_125 = arith.select %and3A_121, %broadcast_in_dim3A_123, %broadcast_in_dim3A_124 : vector<10000x64xi1>, vector<10000x64xf32>
      %reduce_sum3A_126 = arith.constant dense<0.000000e+00> : vector<64xf32>
      %reduce_sum3A_127 = vector.multi_reduction <add>, %select_n3A_125, %reduce_sum3A_126 [0] : vector<10000x64xf32> to vector<64xf32>
      %broadcast_in_dim3A_128 = vector.shape_cast %reduce_sum3A_127 : vector<64xf32> to vector<1x64xf32>
      %ge3A_129 = arith.cmpf oge, %broadcast_in_dim3A_128, %ceil3A : vector<1x64xf32>
      %select_n3A_130 = arith.select %ge3A_129, %or3A_117, %scan3A_114 : vector<1x64xi1>, vector<1x64xi32>
      scf.yield %select_n3A_130 : vector<1x64xi32>
    }
    %scan3A_68 = arith.constant 32 : i32
    %gt3A = vector.broadcast %select_n3A : vector<10000x1xi32> to vector<10000x64xi32>
    %gt3A_69 = vector.broadcast %scan3A_67 : vector<1x64xi32> to vector<10000x64xi32>
    %gt3A_70 = arith.cmpi ugt, %gt3A, %gt3A_69 : vector<10000x64xi32>
    %and3A = arith.andi %eq3A_48, %gt3A_70 : vector<10000x64xi1>
    %jit3A_71 = arith.constant 1.000000e+00 : f32
    %jit3A_72 = arith.constant 0.000000e+00 : f32
    %broadcast_in_dim3A_73 = vector.broadcast %jit3A_71 : f32 to vector<10000x64xf32>
    %broadcast_in_dim3A_74 = vector.broadcast %jit3A_72 : f32 to vector<10000x64xf32>
    %select_n3A_75 = arith.select %and3A, %broadcast_in_dim3A_73, %broadcast_in_dim3A_74 : vector<10000x64xi1>, vector<10000x64xf32>
    %reduce_sum3A_76 = arith.constant dense<0.000000e+00> : vector<64xf32>
    %reduce_sum3A_77 = vector.multi_reduction <add>, %select_n3A_75, %reduce_sum3A_76 [0] : vector<10000x64xf32> to vector<64xf32>
    %broadcast_in_dim3A_78 = vector.shape_cast %reduce_sum3A_77 : vector<64xf32> to vector<1x64xf32>
    %sub3A = arith.subf %ceil3A, %broadcast_in_dim3A_78 : vector<1x64xf32>
    %eq3A_79 = vector.broadcast %select_n3A : vector<10000x1xi32> to vector<10000x64xi32>
    %eq3A_80 = vector.broadcast %scan3A_67 : vector<1x64xi32> to vector<10000x64xi32>
    %eq3A_81 = arith.cmpi eq, %eq3A_79, %eq3A_80 : vector<10000x64xi32>
    %and3A_82 = arith.andi %eq3A_48, %eq3A_81 : vector<10000x64xi1>
    %iota3A_83 = tpu.iota {dimensions = array<i32: 0>} : vector<10000x1xi32>
    %broadcast_in_dim3A_84 = arith.constant 0 : i32
    %broadcast_in_dim3A_85 = vector.broadcast %broadcast_in_dim3A_84 : i32 to vector<1x64xi32>
    %scan3A_86 = arith.constant 1.000000e+00 : f32
    %scan3A_87 = arith.constant 0 : i32
    %scan3A_88 = arith.constant 14 : i32
    %scan3A_89 = arith.addi %scan3A_87, %scan3A_88 : i32
    %scan3A_90 = arith.constant 1 : i32
    %scan3A_91 = scf.for %scan3A_113 = %scan3A_87 to %scan3A_89 step %scan3A_90 iter_args(%scan3A_114 = %broadcast_in_dim3A_85) -> (vector<1x64xi32>)  : i32 {
      %shift_right_logical3A = arith.constant 8192 : i32
      %shift_right_logical3A_115 = arith.shrui %shift_right_logical3A, %scan3A_113 : i32
      %or3A_116 = vector.broadcast %shift_right_logical3A_115 : i32 to vector<1x64xi32>
      %or3A_117 = arith.ori %scan3A_114, %or3A_116 : vector<1x64xi32>
      %lt3A = vector.broadcast %iota3A_83 : vector<10000x1xi32> to vector<10000x64xi32>
      %lt3A_118 = vector.broadcast %or3A_117 : vector<1x64xi32> to vector<10000x64xi32>
      %lt3A_119 = arith.cmpi ult, %lt3A, %lt3A_118 : vector<10000x64xi32>
      %and3A_120 = arith.andi %and3A_82, %lt3A_119 : vector<10000x64xi1>
      %jit3A_121 = arith.constant 0.000000e+00 : f32
      %broadcast_in_dim3A_122 = vector.broadcast %scan3A_86 : f32 to vector<10000x64xf32>
      %broadcast_in_dim3A_123 = vector.broadcast %jit3A_121 : f32 to vector<10000x64xf32>
      %select_n3A_124 = arith.select %and3A_120, %broadcast_in_dim3A_122, %broadcast_in_dim3A_123 : vector<10000x64xi1>, vector<10000x64xf32>
      %reduce_sum3A_125 = arith.constant dense<0.000000e+00> : vector<64xf32>
      %reduce_sum3A_126 = vector.multi_reduction <add>, %select_n3A_124, %reduce_sum3A_125 [0] : vector<10000x64xf32> to vector<64xf32>
      %broadcast_in_dim3A_127 = vector.shape_cast %reduce_sum3A_126 : vector<64xf32> to vector<1x64xf32>
      %lt3A_128 = arith.cmpf olt, %broadcast_in_dim3A_127, %sub3A : vector<1x64xf32>
      %select_n3A_129 = arith.select %lt3A_128, %or3A_117, %scan3A_114 : vector<1x64xi1>, vector<1x64xi32>
      scf.yield %select_n3A_129 : vector<1x64xi32>
    }
    %scan3A_92 = arith.constant 14 : i32
    %le3A = vector.broadcast %iota3A_83 : vector<10000x1xi32> to vector<10000x64xi32>
    %le3A_93 = vector.broadcast %scan3A_91 : vector<1x64xi32> to vector<10000x64xi32>
    %le3A_94 = arith.cmpi ule, %le3A, %le3A_93 : vector<10000x64xi32>
    %and3A_95 = arith.andi %and3A_82, %le3A_94 : vector<10000x64xi1>
    %or3A_96 = arith.ori %and3A, %and3A_95 : vector<10000x64xi1>
    %jit3A_97 = arith.constant 0.000000e+00 : f32
    %broadcast_in_dim3A_98 = vector.shape_cast %mul3A_38 : vector<10000x1xf32> to vector<10000x1xf32>
    %broadcast_in_dim3A_99 = vector.broadcast %broadcast_in_dim3A_98 : vector<10000x1xf32> to vector<10000x64xf32>
    %broadcast_in_dim3A_100 = vector.broadcast %jit3A_97 : f32 to vector<10000x64xf32>
    %select_n3A_101 = arith.select %or3A_96, %broadcast_in_dim3A_99, %broadcast_in_dim3A_100 : vector<10000x64xi1>, vector<10000x64xf32>
    %reduce_sum3A_102 = arith.constant dense<0.000000e+00> : vector<64xf32>
    %reduce_sum3A_103 = vector.multi_reduction <add>, %select_n3A_101, %reduce_sum3A_102 [0] : vector<10000x64xf32> to vector<64xf32>
    %broadcast_in_dim3A_104 = vector.shape_cast %reduce_sum3A_103 : vector<64xf32> to vector<1x64xf32>
    %div3A_105 = arith.divf %broadcast_in_dim3A_104, %max3A_60 : vector<1x64xf32>
    %get3A_106 = arith.constant 0 : index
    %get3A_107 = arith.constant 0 : index
    %get3A_108 = vector.load %arg7[%get3A_106, %get3A_107] : memref<1x1xf32, #tpu.memory_space<vmem>>, vector<1x1xf32>
    %add3A_109 = vector.broadcast %get3A_108 : vector<1x1xf32> to vector<1x64xf32>
    %add3A_110 = arith.addf %div3A_105, %add3A_109 : vector<1x64xf32>
    %swap3A = arith.constant 0 : index
    %swap3A_111 = arith.constant 0 : index
    %swap3A_112 = vector.load %arg8[%swap3A, %swap3A_111] : memref<1x64xf32, #tpu.memory_space<vmem>>, vector<1x64xf32>
    tpu.vector_store %arg8[%swap3A, %swap3A_111], %add3A_110 {strides = array<i32>} : memref<1x64xf32, #tpu.memory_space<vmem>>, vector<1x64xf32>,
    return
  }
}

</mosaic_0001>

<sc_bundles>
// kernel: kernel.10.cloned.1.call-start
scs
__scs_entry_jumppad:
0x0: {  	(pc) =	sbr.rel $0x88, $3  }
0x1: {  	(tag) =	ssettag $0x0;
	lr =	simm.s32 $0x1  }
0x2: {  	[smem:$0x3F99] =	sst lr;
	_ =	strace $0xD0000000  }
0x3: {  	_ = 	snop  }
0x4: {  	_ = 	snop  }
0x5: {  	_ = 	snop  }
0x6: {  	_ = 	snop  }
0x7: {  	_ = 	snop  }
__scs_overlays_trampoline_lowered:
0x8: {  	[smem:$0x3FA8] =	sst s0  }
0x9: {  	[smem:$0x3FA9] =	sst s1  }
0xa: {  	[smem:$0x3FAA] =	sst s2  }
0xb: {  	[smem:$0x3FAB] =	sst s3  }
0xc: {  	[smem:$0x3FAC] =	sst s4  }
0xd: {  	[smem:$0x3FAD] =	sst s5  }
0xe: {  	[smem:$0x3FAE] =	sst s6  }
0xf: {  	[smem:$0x3FAF] =	sst s7  }
0x10: {  	[smem:$0x3FB0] =	sst s8  }
0x11: {  	[smem:$0x3FB1] =	sst s9;
	s0 =	simm.s32 @!p0 $0x0  }
0x12: {  	s1 =	sld [smem:$0x3F97];
	s0 =	simm.s32 @p0 $0x1  }
0x13: {  	[smem:$0x3FB2] =	sst s0;
	s0 =	simm.s32 @!p1 $0x0  }
0x14: {  	s2 =	sld [smem:$0x3F96];
	s0 =	simm.s32 @p1 $0x1  }
0x15: {  	[smem:$0x3FB3] =	sst s0;
	s0 =	simm.s32 @!p2 $0x0  }
0x16: {  	s3 =	sld [smem:$0x3FDB];
	s0 =	simm.s32 @p2 $0x1  }
0x17: {  	s4 =	simm.s32 $0x1BF5;
	[smem:$0x3FB5] =	sst s0  }
0x18: {  	s0 =	sld [smem:$0x3F98];
	_ =	swait.ge [sflag:s4], $0x0  }
0x19: {  	s7 =	sld [smem:$0x3F99]  }
0x1a: {  	s8 =	sadd.s32 $0xFFFFE003, lr  }
0x1b: {  	s9 =	sadd.s32 $0xFFFFFEF7, lr;
	s5 =	simm.s32 $0xFFFFFFFF;
	p2 =	slt.u32 s8, $0xFFFFF086  }
0x1c: {  	p1 =	slt.u32 s9, $0xF7A;
	s5 =	simm.s32 @!p2 $0x0  }
0x1d: {  	s5 =	simm.s32 @p1 $0x1;
	p0 =	seq.s32 s7, s2  }
0x1e: {  	s7 =	smul.u32 @!p0 $0xF7A, s2;
	p2 =	seq.s32 @!p0 s5, $0x0  }
0x1f: {  	s9 =	smul.u32 $0xF7A, s1;
	s8 =	simm.s32 @!p0 $0x1BF5;
	p2 =	por !p2, p0  }
0x20: {  	[sflag:s8] =	ssyncset.s32 @!p0 $0xFFFFF086;
	s6 =	sadd.s32 @!p0 s3, s7;
	s7 =	simm.s32 @!p0 $0x108  }
0x21: {  	s3 =	sadd.s32 s3, s9;
	s6 =	sadd.s32 @!p0 $0x88, s6;
	s7 =	simm.s32 @p2 $0x1082  }
0x22: {  	[simem:s7], [sflag:s8] =	dma.local @!p0 [hbm:s6], $0xF7A  }
0x23: {  	s9 =	sor.u32 $0xD0000000, s2;
	s6 =	simm.s32 $0x108;
	_ =	swait.ge @!p0 [sflag:s8], $0x0  }
0x24: {  	s3 =	sadd.s32 $0x88, s3;
	s6 =	simm.s32 @!p1 $0x1082;
	[sflag:s4] =	ssyncset.s32 $0xFFFFF086  }
0x25: {  	[simem:s6], [sflag:s4] =	dma.local [hbm:s3], $0xF7A  }
0x26: {  	[smem:$0x3F99] =	sst s1;
	(tag) =	ssettag s2;
	_ =	strace s9  }
0x27: {  	s1 =	sld [smem:$0x3FA9]  }
0x28: {  	s2 =	sld [smem:$0x3FAA]  }
0x29: {  	s4 =	sld [smem:$0x3FAC]  }
0x2a: {  	p0 =	seq.s32 s5, $0x0;
	s5 =	sld [smem:$0x3FAD]  }
0x2b: {  	s6 =	sld [smem:$0x3FAE]  }
0x2c: {  	s7 =	sld [smem:$0x3FAF]  }
0x2d: {  	s3 =	simm.s32 $0x108;
	s8 =	sld [smem:$0x3FB0]  }
0x2e: {  	s3 =	simm.s32 @!p0 $0x1082;
	s9 =	sld [smem:$0x3FB1]  }
0x2f: {  	lr =	sadd.s32 s0, s3;
	s0 =	sld [smem:$0x3FA8]  }
0x30: {  	s3 =	sld [smem:$0x3FAB]  }
0x31: {  	[smem:$0x3FB4] =	sst s10  }
0x32: {  	s10 =	sld [smem:$0x3FB2];
	_ =	sdelay $0x3  }
0x33: {  	p0 =	seq.s32 s10, $0x1;
	s10 =	sld [smem:$0x3FB4];
	_ =	sdelay $0x3  }
0x34: {  	[smem:$0x3FB4] =	sst s10  }
0x35: {  	s10 =	sld [smem:$0x3FB3];
	_ =	sdelay $0x3  }
0x36: {  	p1 =	seq.s32 s10, $0x1;
	s10 =	sld [smem:$0x3FB4];
	_ =	sdelay $0x3  }
0x37: {  	[smem:$0x3FB4] =	sst s10  }
0x38: {  	s10 =	sld [smem:$0x3FB5]  }
0x39: {  	_ = 	snop;
	(pc) =	sbr.ind lr, $3  }
0x3a: {  	_ = 	snop  }
0x3b: {  	_ = 	snop  }
0x3c: {  	p2 =	seq.s32 s10, $0x1;
	s10 =	sld [smem:$0x3FB4]  }
0x3d: {  	_ =	shalt  }
0x3e: {  	_ =	shalt  }
0x3f: {  	_ =	shalt  }
0x40: {  	_ =	shalt  }
0x41: {  	_ =	shalt  }
0x42: {  	_ =	shalt  }
0x43: {  	_ =	shalt  }
0x44: {  	_ =	shalt  }
0x45: {  	_ =	shalt  }
0x46: {  	_ =	shalt  }
0x47: {  	_ =	shalt  }
0x48: {  	_ =	shalt  }
0x49: {  	_ =	shalt  }
0x4a: {  	_ =	shalt  }
0x4b: {  	_ =	shalt  }
0x4c: {  	_ =	shalt  }
0x4d: {  	_ =	shalt  }
0x4e: {  	_ =	shalt  }
0x4f: {  	_ =	shalt  }
0x50: {  	_ =	shalt  }
0x51: {  	_ =	shalt  }
0x52: {  	_ =	shalt  }
0x53: {  	_ =	shalt  }
0x54: {  	_ =	shalt  }
0x55: {  	_ =	shalt  }
0x56: {  	_ =	shalt  }
0x57: {  	_ =	shalt  }
0x58: {  	_ =	shalt  }
0x59: {  	_ =	shalt  }
0x5a: {  	_ =	shalt  }
0x5b: {  	_ =	shalt  }
0x5c: {  	_ =	shalt  }
0x5d: {  	_ =	shalt  }
0x5e: {  	_ =	shalt  }
0x5f: {  	_ =	shalt  }
0x60: {  	_ =	shalt  }
0x61: {  	_ =	shalt  }
0x62: {  	_ =	shalt  }
0x63: {  	_ =	shalt  }
0x64: {  	_ =	shalt  }
0x65: {  	_ =	shalt  }
0x66: {  	_ =	shalt  }
0x67: {  	_ =	shalt  }
0x68: {  	_ =	shalt  }
0x69: {  	_ =	shalt  }
0x6a: {  	_ =	shalt  }
0x6b: {  	_ =	shalt  }
0x6c: {  	_ =	shalt  }
0x6d: {  	_ =	shalt  }
0x6e: {  	_ =	shalt  }
0x6f: {  	_ =	shalt  }
0x70: {  	_ =	shalt  }
0x71: {  	_ =	shalt  }
0x72: {  	_ =	shalt  }
0x73: {  	_ =	shalt  }
0x74: {  	_ =	shalt  }
0x75: {  	_ =	shalt  }
0x76: {  	_ =	shalt  }
0x77: {  	_ =	shalt  }
0x78: {  	_ =	shalt  }
0x79: {  	_ =	shalt  }
0x7a: {  	_ =	shalt  }
0x7b: {  	_ =	shalt  }
0x7c: {  	_ =	shalt  }
0x7d: {  	_ =	shalt  }
0x7e: {  	_ =	shalt  }
0x7f: {  	_ =	shalt  }
0x80: {  	_ =	shalt  }
0x81: {  	_ =	shalt  }
0x82: {  	_ =	shalt  }
0x83: {  	_ =	shalt  }
0x84: {  	_ =	shalt  }
0x85: {  	_ =	shalt  }
0x86: {  	_ =	shalt  }
0x87: {  	_ =	shalt  }
.Lfunc_end0:
.L_simem_size_0:
called_computation.1_lowered:
.L_overlay_start_0:
0x88: {  	s2 =	sld [smem:$0x3FD9]  }
0x89: {  	s3 =	sld [smem:$0x3FFE];
	_ =	sdelay $0x1  }
0x8a: {  	s1 =	srdreg.scid  }
0x8b: {  	s0 =	sand.u32 $0x1, s1  }
0x8c: {  	s16 =	sshll.u32 s0, $0xA;
	s2 =	sadd.s32 s3, s2  }
0x8d: {  	s2 =	sadd.s32 s2, s16  }
0x8e: {  	[smem:$0x3FC0] =	sst s2  }
0x8f: {  	_ = 	snop  }
0x90: {  	(tm) =	ssettm $0x1  }
0x91: {  	s17 =	sld [smem:$0x3FFB];
	_ =	sdelay $0x3  }
0x92: {  	_ =	strace s17  }
0x93: {  	s2 =	sld [smem:$0x3FFC];
	_ =	sdelay $0x3  }
0x94: {  	_ =	strace s2  }
0x95: {  	s2 =	sld [smem:$0x3FFD];
	_ =	sdelay $0x3  }
0x96: {  	_ =	strace s2  }
0x97: {  	_ =	strace $0x8FFFFFFF  }
0x98: {  	s18 =	sld [smem:$0x3FDB];
	_ =	sdelay $0x1  }
0x99: {  	s19 =	simm.s32 $_scs_section_size  }
0x9a: {  	s4 =	simm.s32 $_size__tile_overlayer_lowered;
	s5 =	simm.s32 $_tile_overlayer_lowered  }
0x9b: {  	s22 =	simm.s32 $0x1BFF;
	s21 =	sshll.u32 s5, $0x1;
	s2 =	sadd.s32 s19, s18  }
0x9c: {  	s6 =	simm.s32 $0x0;
	s20 =	sshll.u32 s4, $0x1;
	s4 =	sadd.s32 s21, s2  }
0x9d: {  	[timem:s6], [sflag:s22] =	dma.local [hbm:s4], s20  }
0x9e: {  	_ =	swait.ge [sflag:s22], s20  }
0x9f: {  	s3 =	ssub.s32 $0x0, s20;
	[sflag:s22] =	ssyncset.done $0x0  }
0xa0: {  	[sflag:s22] =	ssyncadd.s32 s3;
	_ =	sdelay $0x1  }
0xa1: {  	s23 =	simm.s32 $0x1B8B  }
0xa2: {  	_ =	swait.ge [sflag:s23], $0x1  }
0xa3: {  	[sflag:s23] =	ssyncset.done $0x0  }
0xa4: {  	s25 =	simm.s32 $0x1B8E;
	s24 =	sld [smem:$0x3FFE];
	[sflag:s23] =	ssyncadd.s32 $0xFFFFFFFF  }
0xa5: {  	s26 =	simm.s32 $execute0_lowered;
	[smem:$0x3FD2] =	sst s25  }
0xa6: {  	s4 =	sshll.u32 s26, $0x1;
	_ =	strace $0x80000049;
	[dreg:$0x1] =	wrdreg $0xFFFFFFFF  }
0xa7: {  	s28 =	simm.s32 $_size_execute0_lowered;
	s2 =	sadd.s32 s2, s4;
	[dreg:$0x0] =	wrdreg $0x0  }
0xa8: {  	s4 =	sshll.u32 s28, $0x1;
	[dreg:$0x2] =	wrdreg s2  }
0xa9: {  	[dreg:$0x3] =	wrdreg s4  }
0xaa: {  	[dreg:$0x4] =	wrdreg $0xC0  }
0xab: {  	_ =	task [dreg:s6], $0x5FFFF  }
0xac: {  	[dreg:$0x1] =	wrdreg $0xFFFFFFFF  }
0xad: {  	[dreg:$0x0] =	wrdreg $0x60  }
0xae: {  	[dreg:$0x2] =	wrdreg s24  }
0xaf: {  	[dreg:$0x3] =	wrdreg $0x83000  }
0xb0: {  	[dreg:$0x4] =	wrdreg $0x9  }
0xb1: {  	_ =	task.clear_ibuf [dreg:s6], $0x5FFFF;
	_ =	strace $0x90000049  }
0xb2: {  	s29 =	simm.s32 $0x9;
	_ =	strace $0x8000004B  }
0xb3: {  	_ =	swait.ge [sflag:s29], $0x1  }
0xb4: {  	[sflag:s29] =	ssyncadd.s32 $0xFFFFFFFF  }
0xb5: {  	_ =	strace $0x9000004B  }
0xb6: {  	_ =	sfence  }
0xb7: {  	s30 =	sld [smem:$0x0];
	_ =	sdelay $0x2  }
0xb8: {  	s31 =	sshll.u32 s1, $0xD;
	s1 =	sshrl.u32 s1, $0x2  }
0xb9: {  	s3 =	sand.u32 $0x4000, s31;
	s1 =	sadd.s32 s1, s30  }
0xba: {  	s0 =	sor.u32 s3, s0;
	s1 =	sshll.u32 s1, $0x11  }
0xbb: {  	s0 =	sor.u32 s1, s0  }
0xbc: {  	s0 =	sadd.s32 $0x8F2B, s0  }
0xbd: {  	[sflag:s0] =	ssyncadd.remote.s32 $0x1  }
0xbe: {  	_ =	sfence.sel $0xFFFF  }
0xbf: {  	[dreg:$0x0] =	wrdreg $0xFFFFFFFF;
	(pc) =	sbr.abs _section_cstart, $3  }
0xc0: {  	[dreg:$0x1] =	wrdreg $0xFFFFFFFF  }
0xc1: {  	_ =	task.clear_ibuf [dreg:s6], $0x2FFFF;
	_ =	strace $0x9FFFFFFF  }
0xc2: {  	(tm) =	ssettm $0x7FFFFFFF  }
0xc3: {  	_ =	shalt  }
tec
execute0_lowered:
.L_overlay_start_1:
0x0: {  	(tag) =	ssettag $0x1  }
0x1: {  	s0 =	rddreg [dreg:$0x0]  }
0x2: {  	s1 =	rddreg [dreg:$0x1];
	s3 =	simm.s32 $0x0  }
0x3: {  	s2 =	srdreg.scid;
	s18 =	stileid.u32;
	s28 =	simm.s32 $0x280  }
0x4: {  	s29 =	simm.s32 $0x2300;
	s30 =	simm.s32 $0x1;
	s31 =	simm.s32 $0x2  }
0x5: {  	[smem:$0x7FF] =	sst s3;
	s2 =	sand.u32 $0x1, s2;
	s5 =	smul.u32 $0x5000, s18  }
0x6: {  	s4 =	sadd.s32 $0x14A00, s0;
	s7 =	sadd.s32 $0xE00, s0;
	s16 =	sadd.s32 $0xAC00, s0  }
0x7: {  	s26 =	sshll.u32 s18, $0x4;
	_ =	strace $0x8000004A;
	s6 =	sshll.u32 s2, $0x4  }
0x8: {  	s10 =	ssub.s32 $0x2, s2;
	s25 =	sshll.u32 s2, $0x8;
	s8 =	sor.u32 s18, s6  }
0x9: {  	s17 =	sshrl.u32 s5, $0x3;
	s11 =	sshrl.u32 s10, $0x1;
	s2 =	sadd.s32 s25, s16  }
0xa: {  	s9 =	smul.u32 $0xA00, s8;
	s6 =	sadd.s32 s17, s0;
	s17 =	ssub.s32 s10, s11  }
0xb: {  	s19 =	sshll.u32 s8, $0x4;
	p0 =	sgt.u32 s8, $0x3;
	s6 =	sadd.s32 $0x1E800, s6  }
0xc: {  	s20 =	sor.u32 $0x200, s19;
	s21 =	sadd.s32 s7, s19;
	s22 =	sadd.s32 s16, s19  }
0xd: {  	s24 =	sor.u32 $0x400, s19;
	s14 =	sor.u32 $0x9C00, s19;
	[dreg:$0x3] =	wrdreg s6  }
0xe: {  	s19 =	simm.s32 $0x3300;
	s0 =	sadd.s32 s9, s0;
	[dreg:$0x4] =	wrdreg s21  }
0xf: {  	s6 =	sadd.s32 s5, s1;
	[dreg:$0x5] =	wrdreg s22;
	s23 =	sadd.s32 s7, s20  }
0x10: {  	s5 =	sadd.s32 s16, s20;
	s11 =	sadd.s32 s7, s24;
	s12 =	sadd.s32 s16, s24  }
0x11: {  	s13 =	sadd.s32 s7, s14;
	s14 =	sadd.s32 s16, s14;
	s16 =	smax.u32 s17, $0x1  }
0x12: {  	s17 =	sadd.s32 s26, s2;
	s20 =	simm.s32 $0x4;
	s21 =	simm.s32 $0x180  }
0x13: {  	s22 =	simm.s32 $0x80;
	s24 =	simm.s32 $0x200;
	[dreg:$0x6] =	wrdreg s23  }
0x14: {  	s2 =	simm.s32 $0x0;
	[dreg:$0x7] =	wrdreg s5;
	s15 =	sadd.s32 $0x28800, s0  }
0x15: {  	s0 =	sadd.s32 s25, s7;
	s23 =	simm.s32 $0x300;
	s25 =	simm.s32 $0x1300  }
0x16: {  	s18 =	sadd.s32 s26, s0;
	s26 =	simm.s32 $0x100;
	s0 =	simm.s32 $0x3  }
.LBB2_1:
0x17: {  	s5 =	rddreg [dreg:$0x3]  }
0x18: {  	[tilespmem:s19], [sflag:$0x4] =	stream.linear.gather [hbm4b:s5+s3], $0x5000, $0x38;
	[tilespmem:$0xD300] =	vst v63  }
0x19: {  	_ =	swait.ge [sflag:s20], $0x5000  }
0x1a: {  	[sflag:s20] =	ssyncset.done $0x0  }
0x1b: {  	[sflag:s20] =	ssyncadd.s32 $0xFFFFB000  }
0x1c: {  	[spmem:s6] =	stream.linear.scatter [tilespmem:s19], [sflag:$0x4], $0x5000, $0x38;
	[tilespmem:$0xD300] =	vst v63  }
0x1d: {  	_ =	swait.ge [sflag:s20], $0x5000  }
0x1e: {  	[sflag:s20] =	ssyncset.done $0x0  }
0x1f: {  	[sflag:s20] =	ssyncadd.s32 $0xFFFFB000  }
0x20: {  	[bflag:$0x0] =	sbarrier.arrive $0xFFFF  }
0x21: {  	s10 =	rddreg [dreg:$0x4]  }
0x22: {  	[tilespmem:s3], [sflag:$0x4] =	stream.linear.gather [hbm4b:s10+s3], $0x80, $0x38;
	[tilespmem:$0xD300] =	vst v63  }
0x23: {  	_ =	swait.ge [sflag:s20], $0x80  }
0x24: {  	[sflag:s20] =	ssyncset.done $0x0  }
0x25: {  	s7 =	rddreg [dreg:$0x5];
	[sflag:s20] =	ssyncadd.s32 $0xFFFFFF80  }
0x26: {  	[tilespmem:s21], [sflag:$0x4] =	stream.linear.gather [hbm4b:s7+s3], $0x80, $0x38;
	[tilespmem:$0xD300] =	vst v63  }
0x27: {  	_ =	swait.ge [sflag:s20], $0x80  }
0x28: {  	[sflag:s20] =	ssyncset.done $0x0  }
0x29: {  	[sflag:s20] =	ssyncadd.s32 $0xFFFFFF80  }
0x2a: {  	[tilespmem:s23], [sflag:$0x1] =	stream.indirect.gather [hbm4b:s4+s22], $0x20, s3, s22, $0xb8;
	[tilespmem:$0xD300] =	vst v63  }
0x2b: {  	s8 =	rddreg [dreg:$0x6]  }
0x2c: {  	[tilespmem:s22], [sflag:$0x4] =	stream.linear.gather [hbm4b:s8+s3], $0x80, $0x38;
	[tilespmem:$0xD300] =	vst v63  }
0x2d: {  	_ =	swait.ge [sflag:s20], $0x80  }
0x2e: {  	[sflag:s20] =	ssyncset.done $0x0  }
0x2f: {  	s9 =	rddreg [dreg:$0x7];
	[sflag:s20] =	ssyncadd.s32 $0xFFFFFF80  }
0x30: {  	[tilespmem:s24], [sflag:$0x4] =	stream.linear.gather [hbm4b:s9+s3], $0x80, $0x38;
	[tilespmem:$0xD300] =	vst v63  }
0x31: {  	_ =	swait.ge [sflag:s20], $0x80  }
0x32: {  	[sflag:s20] =	ssyncset.done $0x0  }
0x33: {  	[sflag:s20] =	ssyncadd.s32 $0xFFFFFF80  }
0x34: {  	[tilespmem:s25], [sflag:$0x2] =	stream.indirect.gather [hbm4b:s4+s22], $0x20, s22, s22, $0xb8;
	[tilespmem:$0xD300] =	vst v63  }
0x35: {  	_ = 	snop  }
0x36: {  	[tilespmem:s26], [sflag:$0x4] =	stream.linear.gather [hbm4b:s11+s3], $0x80, $0x38;
	[tilespmem:$0xD300] =	vst v63  }
0x37: {  	_ =	swait.ge [sflag:s20], $0x80  }
0x38: {  	[sflag:s20] =	ssyncset.done $0x0  }
0x39: {  	[sflag:s20] =	ssyncadd.s32 $0xFFFFFF80  }
0x3a: {  	[tilespmem:s28], [sflag:$0x4] =	stream.linear.gather [hbm4b:s12+s3], $0x80, $0x38;
	[tilespmem:$0xD300] =	vst v63  }
0x3b: {  	_ =	swait.ge [sflag:s20], $0x80  }
0x3c: {  	[sflag:s20] =	ssyncset.done $0x0  }
0x3d: {  	[sflag:s20] =	ssyncadd.s32 $0xFFFFFF80  }
0x3e: {  	[tilespmem:s29], [sflag:$0x3] =	stream.indirect.gather [hbm4b:s4+s22], $0x20, s26, s22, $0xb8;
	[tilespmem:$0xD300] =	vst v63  }
0x3f: {  	_ =	swait.ge [sflag:s30], $0x1000  }
0x40: {  	[sflag:s30] =	ssyncset.done $0x0  }
0x41: {  	[sflag:s30] =	ssyncadd.s32 $0xFFFFF000  }
0x42: {  	[spmem:s1] =	stream.indirect.scatter.add.f32 [tilespmem:s23], [sflag:$0x4], $0x20, s21, s22, $0xb8;
	[tilespmem:$0xD300] =	vst v63  }
0x43: {  	_ =	swait.ge [sflag:s20], $0x1000  }
0x44: {  	s5 =	sadd.s32 $0x0, s18;
	[sflag:s20] =	ssyncset.done $0x0  }
0x45: {  	s7 =	sadd.s32 $0x600, s5;
	[sflag:s20] =	ssyncadd.s32 $0xFFFFF000  }
0x46: {  	[tilespmem:s3], [sflag:$0x4] =	stream.linear.gather [hbm4b:s7+s3], $0x80, $0x38;
	[tilespmem:$0xD300] =	vst v63  }
0x47: {  	_ =	swait.ge [sflag:s20], $0x80  }
0x48: {  	s7 =	sadd.s32 $0x0, s17;
	[sflag:s20] =	ssyncset.done $0x0  }
0x49: {  	s8 =	sadd.s32 $0x600, s7;
	[sflag:s20] =	ssyncadd.s32 $0xFFFFFF80  }
0x4a: {  	[tilespmem:s21], [sflag:$0x4] =	stream.linear.gather [hbm4b:s8+s3], $0x80, $0x38;
	[tilespmem:$0xD300] =	vst v63  }
0x4b: {  	_ =	swait.ge [sflag:s20], $0x80  }
0x4c: {  	[sflag:s20] =	ssyncset.done $0x0  }
0x4d: {  	[sflag:s20] =	ssyncadd.s32 $0xFFFFFF80  }
0x4e: {  	[tilespmem:s23], [sflag:$0x1] =	stream.indirect.gather [hbm4b:s4+s22], $0x20, s3, s22, $0xb8;
	[tilespmem:$0xD300] =	vst v63  }
0x4f: {  	_ =	swait.ge [sflag:s31], $0x1000  }
0x50: {  	[sflag:s31] =	ssyncset.done $0x0  }
0x51: {  	[sflag:s31] =	ssyncadd.s32 $0xFFFFF000  }
0x52: {  	[spmem:s1] =	stream.indirect.scatter.add.f32 [tilespmem:s25], [sflag:$0x4], $0x20, s24, s22, $0xb8;
	[tilespmem:$0xD300] =	vst v63  }
0x53: {  	_ =	swait.ge [sflag:s20], $0x1000  }
0x54: {  	[sflag:s20] =	ssyncset.done $0x0  }
0x55: {  	s10 =	sadd.s32 $0x800, s5;
	[sflag:s20] =	ssyncadd.s32 $0xFFFFF000  }
0x56: {  	[tilespmem:s22], [sflag:$0x4] =	stream.linear.gather [hbm4b:s10+s3], $0x80, $0x38;
	[tilespmem:$0xD300] =	vst v63  }
0x57: {  	_ =	swait.ge [sflag:s20], $0x80  }
0x58: {  	[sflag:s20] =	ssyncset.done $0x0  }
0x59: {  	s9 =	sadd.s32 $0x800, s7;
	[sflag:s20] =	ssyncadd.s32 $0xFFFFFF80  }
0x5a: {  	[tilespmem:s24], [sflag:$0x4] =	stream.linear.gather [hbm4b:s9+s3], $0x80, $0x38;
	[tilespmem:$0xD300] =	vst v63  }
0x5b: {  	_ =	swait.ge [sflag:s20], $0x80  }
0x5c: {  	[sflag:s20] =	ssyncset.done $0x0  }
0x5d: {  	[sflag:s20] =	ssyncadd.s32 $0xFFFFFF80  }
0x5e: {  	[tilespmem:s25], [sflag:$0x2] =	stream.indirect.gather [hbm4b:s4+s22], $0x20, s22, s22, $0xb8;
	[tilespmem:$0xD300] =	vst v63  }
0x5f: {  	_ =	swait.ge [sflag:s0], $0x1000  }
0x60: {  	[sflag:s0] =	ssyncset.done $0x0  }
0x61: {  	[sflag:s0] =	ssyncadd.s32 $0xFFFFF000  }
0x62: {  	[spmem:s1] =	stream.indirect.scatter.add.f32 [tilespmem:s29], [sflag:$0x4], $0x20, s28, s22, $0xb8;
	[tilespmem:$0xD300] =	vst v63  }
0x63: {  	_ =	swait.ge [sflag:s20], $0x1000  }
0x64: {  	[sflag:s20] =	ssyncset.done $0x0  }
0x65: {  	s5 =	sadd.s32 $0xA00, s5;
	[sflag:s20] =	ssyncadd.s32 $0xFFFFF000  }
0x66: {  	[tilespmem:s26], [sflag:$0x4] =	stream.linear.gather [hbm4b:s5+s3], $0x80, $0x38;
	[tilespmem:$0xD300] =	vst v63  }
0x67: {  	_ =	swait.ge [sflag:s20], $0x80  }
0x68: {  	[sflag:s20] =	ssyncset.done $0x0  }
0x69: {  	s10 =	sadd.s32 $0xA00, s7;
	[sflag:s20] =	ssyncadd.s32 $0xFFFFFF80  }
0x6a: {  	[tilespmem:s28], [sflag:$0x4] =	stream.linear.gather [hbm4b:s10+s3], $0x80, $0x38;
	[tilespmem:$0xD300] =	vst v63  }
0x6b: {  	_ =	swait.ge [sflag:s20], $0x80  }
0x6c: {  	[sflag:s20] =	ssyncset.done $0x0  }
0x6d: {  	s5 =	simm.s32 $0x600;
	[sflag:s20] =	ssyncadd.s32 $0xFFFFFF80  }
.LBB2_2:
0x6e: {  	[tilespmem:s29], [sflag:$0x3] =	stream.indirect.gather [hbm4b:s4+s22], $0x20, s26, s22, $0xb8;
	[tilespmem:$0xD300] =	vst v63  }
0x6f: {  	s8 =	smov.u32 s5  }
0x70: {  	p1 =	sne.s32 s5, $0x9000;
	s5 =	sadd.s32 $0x600, s5;
	_ =	swait.ge [sflag:s30], $0x1000  }
0x71: {  	[sflag:s30] =	ssyncset.done $0x0  }
0x72: {  	[sflag:s30] =	ssyncadd.s32 $0xFFFFF000  }
0x73: {  	[spmem:s1] =	stream.indirect.scatter.add.f32 [tilespmem:s23], [sflag:$0x4], $0x20, s21, s22, $0xb8;
	[tilespmem:$0xD300] =	vst v63  }
0x74: {  	_ =	swait.ge [sflag:s20], $0x1000  }
0x75: {  	s7 =	sadd.s32 s8, s18;
	[sflag:s20] =	ssyncset.done $0x0  }
0x76: {  	s9 =	sadd.s32 $0x600, s7;
	[sflag:s20] =	ssyncadd.s32 $0xFFFFF000  }
0x77: {  	[tilespmem:s3], [sflag:$0x4] =	stream.linear.gather [hbm4b:s9+s3], $0x80, $0x38;
	[tilespmem:$0xD300] =	vst v63  }
0x78: {  	_ =	swait.ge [sflag:s20], $0x80  }
0x79: {  	s8 =	sadd.s32 s8, s17;
	[sflag:s20] =	ssyncset.done $0x0  }
0x7a: {  	s9 =	sadd.s32 $0x600, s8;
	[sflag:s20] =	ssyncadd.s32 $0xFFFFFF80  }
0x7b: {  	[tilespmem:s21], [sflag:$0x4] =	stream.linear.gather [hbm4b:s9+s3], $0x80, $0x38;
	[tilespmem:$0xD300] =	vst v63  }
0x7c: {  	_ =	swait.ge [sflag:s20], $0x80  }
0x7d: {  	[sflag:s20] =	ssyncset.done $0x0  }
0x7e: {  	[sflag:s20] =	ssyncadd.s32 $0xFFFFFF80  }
0x7f: {  	[tilespmem:s23], [sflag:$0x1] =	stream.indirect.gather [hbm4b:s4+s22], $0x20, s3, s22, $0xb8;
	[tilespmem:$0xD300] =	vst v63  }
0x80: {  	_ =	swait.ge [sflag:s31], $0x1000  }
0x81: {  	[sflag:s31] =	ssyncset.done $0x0  }
0x82: {  	[sflag:s31] =	ssyncadd.s32 $0xFFFFF000  }
0x83: {  	[spmem:s1] =	stream.indirect.scatter.add.f32 [tilespmem:s25], [sflag:$0x4], $0x20, s24, s22, $0xb8;
	[tilespmem:$0xD300] =	vst v63  }
0x84: {  	_ =	swait.ge [sflag:s20], $0x1000  }
0x85: {  	[sflag:s20] =	ssyncset.done $0x0  }
0x86: {  	s9 =	sadd.s32 $0x800, s7;
	[sflag:s20] =	ssyncadd.s32 $0xFFFFF000  }
0x87: {  	[tilespmem:s22], [sflag:$0x4] =	stream.linear.gather [hbm4b:s9+s3], $0x80, $0x38;
	[tilespmem:$0xD300] =	vst v63  }
0x88: {  	_ =	swait.ge [sflag:s20], $0x80  }
0x89: {  	[sflag:s20] =	ssyncset.done $0x0  }
0x8a: {  	s9 =	sadd.s32 $0x800, s8;
	[sflag:s20] =	ssyncadd.s32 $0xFFFFFF80  }
0x8b: {  	[tilespmem:s24], [sflag:$0x4] =	stream.linear.gather [hbm4b:s9+s3], $0x80, $0x38;
	[tilespmem:$0xD300] =	vst v63  }
0x8c: {  	_ =	swait.ge [sflag:s20], $0x80  }
0x8d: {  	[sflag:s20] =	ssyncset.done $0x0  }
0x8e: {  	[sflag:s20] =	ssyncadd.s32 $0xFFFFFF80  }
0x8f: {  	[tilespmem:s25], [sflag:$0x2] =	stream.indirect.gather [hbm4b:s4+s22], $0x20, s22, s22, $0xb8;
	[tilespmem:$0xD300] =	vst v63  }
0x90: {  	_ =	swait.ge [sflag:s0], $0x1000  }
0x91: {  	[sflag:s0] =	ssyncset.done $0x0  }
0x92: {  	[sflag:s0] =	ssyncadd.s32 $0xFFFFF000  }
0x93: {  	[spmem:s1] =	stream.indirect.scatter.add.f32 [tilespmem:s29], [sflag:$0x4], $0x20, s28, s22, $0xb8;
	[tilespmem:$0xD300] =	vst v63  }
0x94: {  	_ =	swait.ge [sflag:s20], $0x1000  }
0x95: {  	[sflag:s20] =	ssyncset.done $0x0  }
0x96: {  	s7 =	sadd.s32 $0xA00, s7;
	[sflag:s20] =	ssyncadd.s32 $0xFFFFF000  }
0x97: {  	[tilespmem:s26], [sflag:$0x4] =	stream.linear.gather [hbm4b:s7+s3], $0x80, $0x38;
	[tilespmem:$0xD300] =	vst v63  }
0x98: {  	_ =	swait.ge [sflag:s20], $0x80  }
0x99: {  	[sflag:s20] =	ssyncset.done $0x0  }
.Ltmp0:
0x9a: {  	s7 =	sadd.s32 $0xA00, s8;
	[sflag:s20] =	ssyncadd.s32 $0xFFFFFF80;
	(pc) =	sbr.rel @p1 .LBB2_2-.Ltmp0, $4  }
0x9b: {  	[tilespmem:s28], [sflag:$0x4] =	stream.linear.gather [hbm4b:s7+s3], $0x80, $0x38;
	[tilespmem:$0xD300] =	vst v63  }
0x9c: {  	_ =	swait.ge [sflag:s20], $0x80  }
0x9d: {  	[sflag:s20] =	ssyncset.done $0x0  }
0x9e: {  	[sflag:s20] =	ssyncadd.s32 $0xFFFFFF80  }
0x9f: {  	[tilespmem:s29], [sflag:$0x3] =	stream.indirect.gather [hbm4b:s4+s22], $0x20, s26, s22, $0xb8;
	[tilespmem:$0xD300] =	vst v63  }
0xa0: {  	_ =	swait.ge [sflag:s30], $0x1000  }
0xa1: {  	[sflag:s30] =	ssyncset.done $0x0  }
0xa2: {  	[sflag:s30] =	ssyncadd.s32 $0xFFFFF000  }
0xa3: {  	[spmem:s1] =	stream.indirect.scatter.add.f32 [tilespmem:s23], [sflag:$0x4], $0x20, s21, s22, $0xb8;
	[tilespmem:$0xD300] =	vst v63  }
0xa4: {  	_ =	swait.ge [sflag:s20], $0x1000  }
0xa5: {  	[sflag:s20] =	ssyncset.done $0x0  }
0xa6: {  	[sflag:s20] =	ssyncadd.s32 $0xFFFFF000  }
0xa7: {  	_ =	swait.ge [sflag:s31], $0x1000  }
0xa8: {  	[sflag:s31] =	ssyncset.done $0x0  }
0xa9: {  	[sflag:s31] =	ssyncadd.s32 $0xFFFFF000  }
0xaa: {  	[spmem:s1] =	stream.indirect.scatter.add.f32 [tilespmem:s25], [sflag:$0x4], $0x20, s24, s22, $0xb8;
	[tilespmem:$0xD300] =	vst v63  }
0xab: {  	_ =	swait.ge [sflag:s20], $0x1000  }
0xac: {  	[sflag:s20] =	ssyncset.done $0x0  }
0xad: {  	[sflag:s20] =	ssyncadd.s32 $0xFFFFF000  }
0xae: {  	_ =	swait.ge [sflag:s0], $0x1000  }
0xaf: {  	[sflag:s0] =	ssyncset.done $0x0  }
0xb0: {  	[sflag:s0] =	ssyncadd.s32 $0xFFFFF000  }
0xb1: {  	[spmem:s1] =	stream.indirect.scatter.add.f32 [tilespmem:s29], [sflag:$0x4], $0x20, s28, s22, $0xb8;
	[tilespmem:$0xD300] =	vst v63  }
0xb2: {  	_ =	swait.ge [sflag:s20], $0x1000  }
0xb3: {  	[sflag:s20] =	ssyncset.done $0x0  }
0xb4: {  	s5 =	simm.s32 @!p0 $0x0;
	s7 =	simm.s32 @!p0 $0x4;
	[sflag:s20] =	ssyncadd.s32 $0xFFFFF000  }
0xb5: {  	[tilespmem:s5], [sflag:$0x4] =	stream.linear.gather @!p0 [hbm4b:s13+s5], $0x80, $0x38;
	[tilespmem:$0xD300] =	vst v63  }
0xb6: {  	_ =	swait.ge @!p0 [sflag:s7], $0x80  }
0xb7: {  	[sflag:s7] =	ssyncset.done @!p0 $0x0  }
0xb8: {  	s8 =	simm.s32 @!p0 $0x180;
	[sflag:s7] =	ssyncadd.s32 @!p0 $0xFFFFFF80  }
0xb9: {  	[tilespmem:s8], [sflag:$0x4] =	stream.linear.gather @!p0 [hbm4b:s14+s5], $0x80, $0x38;
	[tilespmem:$0xD300] =	vst v63  }
0xba: {  	_ =	swait.ge @!p0 [sflag:s7], $0x80  }
0xbb: {  	[sflag:s7] =	ssyncset.done @!p0 $0x0  }
0xbc: {  	s9 =	simm.s32 @!p0 $0x80;
	s10 =	simm.s32 @!p0 $0x300;
	[sflag:s7] =	ssyncadd.s32 @!p0 $0xFFFFFF80  }
0xbd: {  	[tilespmem:s10], [sflag:$0x1] =	stream.indirect.gather @!p0 [hbm4b:s4+s9], $0x20, s5, s9, $0xb8;
	[tilespmem:$0xD300] =	vst v63  }
0xbe: {  	s5 =	simm.s32 @!p0 $0x1  }
0xbf: {  	_ =	swait.ge @!p0 [sflag:s5], $0x1000  }
0xc0: {  	[sflag:s5] =	ssyncset.done @!p0 $0x0  }
0xc1: {  	[sflag:s5] =	ssyncadd.s32 @!p0 $0xFFFFF000  }
0xc2: {  	[spmem:s1] =	stream.indirect.scatter.add.f32 @!p0 [tilespmem:s10], [sflag:$0x4], $0x20, s8, s9, $0xb8;
	[tilespmem:$0xD300] =	vst v63  }
0xc3: {  	s2 =	sadd.s32 $0x1, s2;
	_ =	swait.ge @!p0 [sflag:s7], $0x1000  }
0xc4: {  	p1 =	sne.s32 s2, s16;
	s9 =	stileid.u32;
	[sflag:s7] =	ssyncset.done @!p0 $0x0  }
0xc5: {  	s10 =	sshrl.u32 s6, $0x3;
	s5 =	sshll.u32 s9, $0x6;
	[sflag:s7] =	ssyncadd.s32 @!p0 $0xFFFFF000  }
.Ltmp1:
0xc6: {  	s5 =	sor.u32 $0x1C04, s5;
	[bflag:$0x0] =	sbarrier.arrive $0xFFFF;
	(pc) =	sbr.rel @p1 .LBB2_1-.Ltmp1, $4  }
0xc7: {  	[hbm:s15], [sflag:s5] =	dma.local [spmem:s10], $0xA00  }
0xc8: {  	_ =	swait.ge [sflag:s20], $0xA00  }
0xc9: {  	[sflag:s20] =	ssyncset.done $0x0  }
0xca: {  	[sflag:s20] =	ssyncadd.s32 $0xFFFFF600  }
0xcb: {  	_ =	sfence.sel $0x180000  }
0xcc: {  	[bflag:$0x0] =	sbarrier.arrive $0xFFFF  }
0xcd: {  	_ =	strace $0x9000004A  }
0xce: {  	s0 =	stileid.u32;
	[bflag:$0x2] =	sbarrier.arrive $0xFFFF  }
0xcf: {  	p0 =	sne.s32 s0, $0x0;
	s0 =	rddreg [dreg:$0x2]  }
0xd0: {  	s0 =	sadd.s32 @!p0 $0x100000, s0  }
0xd1: {  	[sflag:s0] =	ssyncadd.tile.s32 @!p0 $0x1;
	_ =	shalt  }
.Lfunc_end2:
_tile_overlayer_lowered:
.L_overlay_start_2:
0xd2: {  	(tag) =	ssettag $0x2  }
0xd3: {  	s0 =	rddreg [dreg:$0x0];
	s2 =	stileid.u32  }
0xd4: {  	s1 =	rddreg [dreg:$0x1];
	p0 =	sne.s32 s2, $0x0  }
0xd5: {  	s3 =	rddreg [dreg:$0x2];
	[bflag:$0x3] =	sbarrier.arrive $0xFFFF;
	s2 =	simm.s32 @!p0 $0x1C04  }
0xd6: {  	[timem:s3], [sflag:s2] =	dma.local @!p0 [hbm:s0], s1  }
0xd7: {  	s0 =	simm.s32 @!p0 $0x4  }
0xd8: {  	_ =	swait.ge @!p0 [sflag:s0], s1  }
0xd9: {  	s1 =	ssub.s32 @!p0 $0x0, s1;
	[sflag:s0] =	ssyncset.done @!p0 $0x0  }
0xda: {  	[sflag:s0] =	ssyncadd.s32 @!p0 s1  }
0xdb: {  	[bflag:$0x3] =	sbarrier.arrive $0xFFFF  }
0xdc: {  	_ =	shalt  }

// kernel: kernel.7.cloned.1.call-start
scs
__scs_entry_jumppad:
0x0: {  	(pc) =	sbr.rel $0x88, $3  }
0x1: {  	(tag) =	ssettag $0x0;
	lr =	simm.s32 $0x1  }
0x2: {  	[smem:$0x3F99] =	sst lr;
	_ =	strace $0xD0000000  }
0x3: {  	_ = 	snop  }
0x4: {  	_ = 	snop  }
0x5: {  	_ = 	snop  }
0x6: {  	_ = 	snop  }
0x7: {  	_ = 	snop  }
__scs_overlays_trampoline_lowered:
0x8: {  	[smem:$0x3FA8] =	sst s0  }
0x9: {  	[smem:$0x3FA9] =	sst s1  }
0xa: {  	[smem:$0x3FAA] =	sst s2  }
0xb: {  	[smem:$0x3FAB] =	sst s3  }
0xc: {  	[smem:$0x3FAC] =	sst s4  }
0xd: {  	[smem:$0x3FAD] =	sst s5  }
0xe: {  	[smem:$0x3FAE] =	sst s6  }
0xf: {  	[smem:$0x3FAF] =	sst s7  }
0x10: {  	[smem:$0x3FB0] =	sst s8  }
0x11: {  	[smem:$0x3FB1] =	sst s9;
	s0 =	simm.s32 @!p0 $0x0  }
0x12: {  	s1 =	sld [smem:$0x3F97];
	s0 =	simm.s32 @p0 $0x1  }
0x13: {  	[smem:$0x3FB2] =	sst s0;
	s0 =	simm.s32 @!p1 $0x0  }
0x14: {  	s2 =	sld [smem:$0x3F96];
	s0 =	simm.s32 @p1 $0x1  }
0x15: {  	[smem:$0x3FB3] =	sst s0;
	s0 =	simm.s32 @!p2 $0x0  }
0x16: {  	s3 =	sld [smem:$0x3FDB];
	s0 =	simm.s32 @p2 $0x1  }
0x17: {  	s4 =	simm.s32 $0x1BF5;
	[smem:$0x3FB5] =	sst s0  }
0x18: {  	s0 =	sld [smem:$0x3F98];
	_ =	swait.ge [sflag:s4], $0x0  }
0x19: {  	s7 =	sld [smem:$0x3F99]  }
0x1a: {  	s8 =	sadd.s32 $0xFFFFE003, lr  }
0x1b: {  	s9 =	sadd.s32 $0xFFFFFEF7, lr;
	s5 =	simm.s32 $0xFFFFFFFF;
	p2 =	slt.u32 s8, $0xFFFFF086  }
0x1c: {  	p1 =	slt.u32 s9, $0xF7A;
	s5 =	simm.s32 @!p2 $0x0  }
0x1d: {  	s5 =	simm.s32 @p1 $0x1;
	p0 =	seq.s32 s7, s2  }
0x1e: {  	s7 =	smul.u32 @!p0 $0xF7A, s2;
	p2 =	seq.s32 @!p0 s5, $0x0  }
0x1f: {  	s9 =	smul.u32 $0xF7A, s1;
	s8 =	simm.s32 @!p0 $0x1BF5;
	p2 =	por !p2, p0  }
0x20: {  	[sflag:s8] =	ssyncset.s32 @!p0 $0xFFFFF086;
	s6 =	sadd.s32 @!p0 s3, s7;
	s7 =	simm.s32 @!p0 $0x108  }
0x21: {  	s3 =	sadd.s32 s3, s9;
	s6 =	sadd.s32 @!p0 $0x88, s6;
	s7 =	simm.s32 @p2 $0x1082  }
0x22: {  	[simem:s7], [sflag:s8] =	dma.local @!p0 [hbm:s6], $0xF7A  }
0x23: {  	s9 =	sor.u32 $0xD0000000, s2;
	s6 =	simm.s32 $0x108;
	_ =	swait.ge @!p0 [sflag:s8], $0x0  }
0x24: {  	s3 =	sadd.s32 $0x88, s3;
	s6 =	simm.s32 @!p1 $0x1082;
	[sflag:s4] =	ssyncset.s32 $0xFFFFF086  }
0x25: {  	[simem:s6], [sflag:s4] =	dma.local [hbm:s3], $0xF7A  }
0x26: {  	[smem:$0x3F99] =	sst s1;
	(tag) =	ssettag s2;
	_ =	strace s9  }
0x27: {  	s1 =	sld [smem:$0x3FA9]  }
0x28: {  	s2 =	sld [smem:$0x3FAA]  }
0x29: {  	s4 =	sld [smem:$0x3FAC]  }
0x2a: {  	p0 =	seq.s32 s5, $0x0;
	s5 =	sld [smem:$0x3FAD]  }
0x2b: {  	s6 =	sld [smem:$0x3FAE]  }
0x2c: {  	s7 =	sld [smem:$0x3FAF]  }
0x2d: {  	s3 =	simm.s32 $0x108;
	s8 =	sld [smem:$0x3FB0]  }
0x2e: {  	s3 =	simm.s32 @!p0 $0x1082;
	s9 =	sld [smem:$0x3FB1]  }
0x2f: {  	lr =	sadd.s32 s0, s3;
	s0 =	sld [smem:$0x3FA8]  }
0x30: {  	s3 =	sld [smem:$0x3FAB]  }
0x31: {  	[smem:$0x3FB4] =	sst s10  }
0x32: {  	s10 =	sld [smem:$0x3FB2];
	_ =	sdelay $0x3  }
0x33: {  	p0 =	seq.s32 s10, $0x1;
	s10 =	sld [smem:$0x3FB4];
	_ =	sdelay $0x3  }
0x34: {  	[smem:$0x3FB4] =	sst s10  }
0x35: {  	s10 =	sld [smem:$0x3FB3];
	_ =	sdelay $0x3  }
0x36: {  	p1 =	seq.s32 s10, $0x1;
	s10 =	sld [smem:$0x3FB4];
	_ =	sdelay $0x3  }
0x37: {  	[smem:$0x3FB4] =	sst s10  }
0x38: {  	s10 =	sld [smem:$0x3FB5]  }
0x39: {  	_ = 	snop;
	(pc) =	sbr.ind lr, $3  }
0x3a: {  	_ = 	snop  }
0x3b: {  	_ = 	snop  }
0x3c: {  	p2 =	seq.s32 s10, $0x1;
	s10 =	sld [smem:$0x3FB4]  }
0x3d: {  	_ =	shalt  }
0x3e: {  	_ =	shalt  }
0x3f: {  	_ =	shalt  }
0x40: {  	_ =	shalt  }
0x41: {  	_ =	shalt  }
0x42: {  	_ =	shalt  }
0x43: {  	_ =	shalt  }
0x44: {  	_ =	shalt  }
0x45: {  	_ =	shalt  }
0x46: {  	_ =	shalt  }
0x47: {  	_ =	shalt  }
0x48: {  	_ =	shalt  }
0x49: {  	_ =	shalt  }
0x4a: {  	_ =	shalt  }
0x4b: {  	_ =	shalt  }
0x4c: {  	_ =	shalt  }
0x4d: {  	_ =	shalt  }
0x4e: {  	_ =	shalt  }
0x4f: {  	_ =	shalt  }
0x50: {  	_ =	shalt  }
0x51: {  	_ =	shalt  }
0x52: {  	_ =	shalt  }
0x53: {  	_ =	shalt  }
0x54: {  	_ =	shalt  }
0x55: {  	_ =	shalt  }
0x56: {  	_ =	shalt  }
0x57: {  	_ =	shalt  }
0x58: {  	_ =	shalt  }
0x59: {  	_ =	shalt  }
0x5a: {  	_ =	shalt  }
0x5b: {  	_ =	shalt  }
0x5c: {  	_ =	shalt  }
0x5d: {  	_ =	shalt  }
0x5e: {  	_ =	shalt  }
0x5f: {  	_ =	shalt  }
0x60: {  	_ =	shalt  }
0x61: {  	_ =	shalt  }
0x62: {  	_ =	shalt  }
0x63: {  	_ =	shalt  }
0x64: {  	_ =	shalt  }
0x65: {  	_ =	shalt  }
0x66: {  	_ =	shalt  }
0x67: {  	_ =	shalt  }
0x68: {  	_ =	shalt  }
0x69: {  	_ =	shalt  }
0x6a: {  	_ =	shalt  }
0x6b: {  	_ =	shalt  }
0x6c: {  	_ =	shalt  }
0x6d: {  	_ =	shalt  }
0x6e: {  	_ =	shalt  }
0x6f: {  	_ =	shalt  }
0x70: {  	_ =	shalt  }
0x71: {  	_ =	shalt  }
0x72: {  	_ =	shalt  }
0x73: {  	_ =	shalt  }
0x74: {  	_ =	shalt  }
0x75: {  	_ =	shalt  }
0x76: {  	_ =	shalt  }
0x77: {  	_ =	shalt  }
0x78: {  	_ =	shalt  }
0x79: {  	_ =	shalt  }
0x7a: {  	_ =	shalt  }
0x7b: {  	_ =	shalt  }
0x7c: {  	_ =	shalt  }
0x7d: {  	_ =	shalt  }
0x7e: {  	_ =	shalt  }
0x7f: {  	_ =	shalt  }
0x80: {  	_ =	shalt  }
0x81: {  	_ =	shalt  }
0x82: {  	_ =	shalt  }
0x83: {  	_ =	shalt  }
0x84: {  	_ =	shalt  }
0x85: {  	_ =	shalt  }
0x86: {  	_ =	shalt  }
0x87: {  	_ =	shalt  }
.Lfunc_end0:
.L_simem_size_0:
called_computation_lowered:
.L_overlay_start_0:
0x88: {  	s2 =	sld [smem:$0x3FD9]  }
0x89: {  	s3 =	sld [smem:$0x3FFE];
	_ =	sdelay $0x1  }
0x8a: {  	s1 =	srdreg.scid  }
0x8b: {  	s0 =	sand.u32 $0x1, s1  }
0x8c: {  	s16 =	sshll.u32 s0, $0xA;
	s2 =	sadd.s32 s3, s2  }
0x8d: {  	s2 =	sadd.s32 s2, s16  }
0x8e: {  	[smem:$0x3FC0] =	sst s2  }
0x8f: {  	_ = 	snop  }
0x90: {  	(tm) =	ssettm $0x1  }
0x91: {  	s17 =	sld [smem:$0x3FFB];
	_ =	sdelay $0x3  }
0x92: {  	_ =	strace s17  }
0x93: {  	s2 =	sld [smem:$0x3FFC];
	_ =	sdelay $0x3  }
0x94: {  	_ =	strace s2  }
0x95: {  	s2 =	sld [smem:$0x3FFD];
	_ =	sdelay $0x3  }
0x96: {  	_ =	strace s2  }
0x97: {  	_ =	strace $0x8FFFFFFF  }
0x98: {  	s18 =	sld [smem:$0x3FDB];
	_ =	sdelay $0x1  }
0x99: {  	s19 =	simm.s32 $_scs_section_size  }
0x9a: {  	s4 =	simm.s32 $_size__tile_overlayer_lowered;
	s5 =	simm.s32 $_tile_overlayer_lowered  }
0x9b: {  	s22 =	simm.s32 $0x1BFF;
	s21 =	sshll.u32 s5, $0x1;
	s2 =	sadd.s32 s19, s18  }
0x9c: {  	s6 =	simm.s32 $0x0;
	s20 =	sshll.u32 s4, $0x1;
	s4 =	sadd.s32 s21, s2  }
0x9d: {  	[timem:s6], [sflag:s22] =	dma.local [hbm:s4], s20  }
0x9e: {  	_ =	swait.ge [sflag:s22], s20  }
0x9f: {  	s3 =	ssub.s32 $0x0, s20;
	[sflag:s22] =	ssyncset.done $0x0  }
0xa0: {  	[sflag:s22] =	ssyncadd.s32 s3;
	_ =	sdelay $0x1  }
0xa1: {  	s23 =	simm.s32 $0x1B8B  }
0xa2: {  	_ =	swait.ge [sflag:s23], $0x1  }
0xa3: {  	[sflag:s23] =	ssyncset.done $0x0  }
0xa4: {  	s25 =	simm.s32 $0x1B8E;
	s24 =	sld [smem:$0x3FFE];
	[sflag:s23] =	ssyncadd.s32 $0xFFFFFFFF  }
0xa5: {  	s26 =	simm.s32 $execute0_lowered;
	[smem:$0x3FD2] =	sst s25  }
0xa6: {  	s4 =	sshll.u32 s26, $0x1;
	_ =	strace $0x80000046;
	[dreg:$0x1] =	wrdreg $0xFFFFFFFF  }
0xa7: {  	s28 =	simm.s32 $_size_execute0_lowered;
	s2 =	sadd.s32 s2, s4;
	[dreg:$0x0] =	wrdreg $0x0  }
0xa8: {  	s4 =	sshll.u32 s28, $0x1;
	[dreg:$0x2] =	wrdreg s2  }
0xa9: {  	[dreg:$0x3] =	wrdreg s4  }
0xaa: {  	[dreg:$0x4] =	wrdreg $0xC0  }
0xab: {  	_ =	task [dreg:s6], $0x5FFFF  }
0xac: {  	[dreg:$0x1] =	wrdreg $0xFFFFFFFF  }
0xad: {  	[dreg:$0x0] =	wrdreg $0x60  }
0xae: {  	[dreg:$0x2] =	wrdreg s24  }
0xaf: {  	[dreg:$0x3] =	wrdreg $0x18800  }
0xb0: {  	[dreg:$0x4] =	wrdreg $0x9  }
0xb1: {  	_ =	task.clear_ibuf [dreg:s6], $0x5FFFF;
	_ =	strace $0x90000046  }
0xb2: {  	s29 =	simm.s32 $0x9;
	_ =	strace $0x80000048  }
0xb3: {  	_ =	swait.ge [sflag:s29], $0x1  }
0xb4: {  	[sflag:s29] =	ssyncadd.s32 $0xFFFFFFFF  }
0xb5: {  	_ =	strace $0x90000048  }
0xb6: {  	_ =	sfence  }
0xb7: {  	s30 =	sld [smem:$0x0];
	_ =	sdelay $0x2  }
0xb8: {  	s31 =	sshll.u32 s1, $0xD;
	s1 =	sshrl.u32 s1, $0x2  }
0xb9: {  	s3 =	sand.u32 $0x4000, s31;
	s1 =	sadd.s32 s1, s30  }
0xba: {  	s0 =	sor.u32 s3, s0;
	s1 =	sshll.u32 s1, $0x11  }
0xbb: {  	s0 =	sor.u32 s1, s0  }
0xbc: {  	s0 =	sadd.s32 $0x8F2B, s0  }
0xbd: {  	[sflag:s0] =	ssyncadd.remote.s32 $0x1  }
0xbe: {  	_ =	sfence.sel $0xFFFF  }
0xbf: {  	[dreg:$0x0] =	wrdreg $0xFFFFFFFF;
	(pc) =	sbr.abs _section_cstart, $3  }
0xc0: {  	[dreg:$0x1] =	wrdreg $0xFFFFFFFF  }
0xc1: {  	_ =	task.clear_ibuf [dreg:s6], $0x2FFFF;
	_ =	strace $0x9FFFFFFF  }
0xc2: {  	(tm) =	ssettm $0x7FFFFFFF  }
0xc3: {  	_ =	shalt  }
tec
execute0_lowered:
.L_overlay_start_1:
0x0: {  	(tag) =	ssettag $0x1  }
0x1: {  	s0 =	srdreg.scid  }
0x2: {  	s4 =	rddreg [dreg:$0x0];
	s12 =	stileid.u32  }
0x3: {  	s1 =	rddreg [dreg:$0x1];
	s2 =	simm.s32 $0x0;
	s11 =	simm.s32 $0x1  }
0x4: {  	s14 =	simm.s32 $0x0;
	s5 =	sand.u32 $0x1, s0;
	s0 =	rddreg [dreg:$0x2]  }
0x5: {  	s6 =	sshll.u32 s12, $0x7;
	[smem:$0x7FF] =	sst s2;
	s30 =	smul.u32 $0x1400, s12  }
0x6: {  	s3 =	sshll.u32 s5, $0xB;
	_ =	strace $0x80000047;
	s8 =	smul.u32 $0x2800, s5  }
0x7: {  	s10 =	ssub.s32 $0x2, s5;
	s5 =	sshll.u32 s5, $0x4;
	s3 =	sor.u32 s6, s3  }
0x8: {  	s7 =	sshrl.u32 s30, $0x3;
	s31 =	sshrl.u32 s10, $0x1;
	s5 =	sor.u32 s12, s5  }
0x9: {  	s6 =	sadd.s32 s30, s1;
	s3 =	sshrl.u32 s3, $0x3;
	s7 =	sadd.s32 s7, s4  }
0xa: {  	s8 =	sadd.s32 s8, s4;
	s10 =	ssub.s32 s10, s31;
	p0 =	slt.u32 s5, $0x4  }
0xb: {  	s9 =	sadd.s32 s3, s4;
	s3 =	sadd.s32 $0x17200, s4;
	s4 =	simm.s32 $0x4F  }
0xc: {  	s5 =	sadd.s32 $0x14A00, s7;
	s7 =	sadd.s32 $0x17400, s8;
	s8 =	smax.u32 s10, $0x1  }
0xd: {  	s10 =	simm.s32 $0x480;
	s4 =	simm.s32 @!p0 $0x4E;
	p0 =	sne.s32 s12, $0x0  }
0xe: {  	s9 =	sadd.s32 $0xAC00, s9;
	s12 =	simm.s32 $0x80;
	s13 =	sshrl.u32 @!p0 s1, $0x3  }
.LBB2_1:
0xf: {  	[tilespmem:s10], [sflag:$0x1] =	stream.linear.gather [hbm4b:s5+s2], $0x1400, $0x38;
	[tilespmem:$0x2C80] =	vst v63  }
0x10: {  	_ =	swait.ge [sflag:s11], $0x1400  }
0x11: {  	[sflag:s11] =	ssyncset.done $0x0  }
0x12: {  	[sflag:s11] =	ssyncadd.s32 $0xFFFFEC00  }
0x13: {  	[spmem:s6] =	stream.linear.scatter [tilespmem:s10], [sflag:$0x1], $0x1400, $0x38;
	[tilespmem:$0x2C80] =	vst v63  }
0x14: {  	_ =	swait.ge [sflag:s11], $0x1400  }
0x15: {  	[sflag:s11] =	ssyncset.done $0x0  }
0x16: {  	[sflag:s11] =	ssyncadd.s32 $0xFFFFEC00  }
0x17: {  	[tilespmem:s12], [sflag:$0x1] =	stream.linear.gather [hbm4b:s3+s2], $0x400, $0x38;
	[tilespmem:$0x2C80] =	vst v63  }
0x18: {  	_ =	swait.ge [sflag:s11], $0x400  }
0x19: {  	[sflag:s11] =	ssyncset.done $0x0  }
0x1a: {  	[sflag:s11] =	ssyncadd.s32 $0xFFFFFC00  }
0x1b: {  	[bflag:$0x0] =	sbarrier.arrive $0xFFFF  }
0x1c: {  	[tilespmem:s2], [sflag:$0x1] =	stream.linear.gather [hbm4b:s9+s2], $0x80, $0x38;
	[tilespmem:$0x2C80] =	vst v63  }
0x1d: {  	p1 =	sne.s32 s4, $0x1;
	_ =	swait.ge [sflag:s11], $0x80  }
.Ltmp0:
0x1e: {  	[sflag:s11] =	ssyncset.done $0x0;
	(pc) =	sbr.rel @!p1 .LBB2_3-.Ltmp0, $4  }
0x1f: {  	[sflag:s11] =	ssyncadd.s32 $0xFFFFFF80  }
0x20: {  	[spmem:s1] =	stream.indirect.scatter.add.f32 [tilespmem:s12], [sflag:$0x1], $0x8, s2, s12, $0xb8;
	[tilespmem:$0x2C80] =	vst v63  }
0x21: {  	_ =	swait.ge [sflag:s11], $0x400  }
0x22: {  	s15 =	sadd.s32 $0xFFFFFFFF, s4;
	s16 =	smov.u32 s9;
	[sflag:s11] =	ssyncset.done $0x0  }
.LBB2_2:
0x23: {  	p1 =	sne.s32 s15, $0x1;
	[sflag:s11] =	ssyncadd.s32 $0xFFFFFC00;
	s16 =	sadd.s32 $0x200, s16  }
0x24: {  	[tilespmem:s2], [sflag:$0x1] =	stream.linear.gather [hbm4b:s16+s2], $0x80, $0x38;
	[tilespmem:$0x2C80] =	vst v63  }
0x25: {  	s15 =	sadd.s32 $0xFFFFFFFF, s15;
	_ =	swait.ge [sflag:s11], $0x80  }
.Ltmp1:
0x26: {  	[sflag:s11] =	ssyncset.done $0x0;
	(pc) =	sbr.rel @p1 .LBB2_2-.Ltmp1, $4  }
0x27: {  	[sflag:s11] =	ssyncadd.s32 $0xFFFFFF80  }
0x28: {  	[spmem:s1] =	stream.indirect.scatter.add.f32 [tilespmem:s12], [sflag:$0x1], $0x8, s2, s12, $0xb8;
	[tilespmem:$0x2C80] =	vst v63  }
0x29: {  	_ =	swait.ge [sflag:s11], $0x400  }
0x2a: {  	[sflag:s11] =	ssyncset.done $0x0  }
.LBB2_3:
0x2b: {  	[sflag:s11] =	ssyncadd.s32 $0xFFFFFC00;
	s14 =	sadd.s32 $0x1, s14  }
0x2c: {  	s15 =	simm.s32 @!p0 $0x1C01;
	[bflag:$0x0] =	sbarrier.arrive $0xFFFF;
	p1 =	sne.s32 s14, s8  }
0x2d: {  	[hbm:s7], [sflag:s15] =	dma.local @!p0 [spmem:s13], $0x2800  }
.Ltmp2:
0x2e: {  	_ = 	snop;
	(pc) =	sbr.rel @p1 .LBB2_1-.Ltmp2, $4  }
0x2f: {  	s15 =	simm.s32 @!p0 $0x1  }
0x30: {  	_ =	swait.ge @!p0 [sflag:s15], $0x2800  }
0x31: {  	[sflag:s15] =	ssyncset.done @!p0 $0x0  }
0x32: {  	[sflag:s15] =	ssyncadd.s32 @!p0 $0xFFFFD800  }
0x33: {  	_ =	sfence.sel $0x180000  }
0x34: {  	[bflag:$0x0] =	sbarrier.arrive $0xFFFF  }
0x35: {  	_ =	strace $0x90000047  }
0x36: {  	s0 =	sadd.s32 @!p0 $0x100000, s0;
	[bflag:$0x2] =	sbarrier.arrive $0xFFFF  }
0x37: {  	[sflag:s0] =	ssyncadd.tile.s32 @!p0 $0x1;
	_ =	shalt  }
.Lfunc_end2:
_tile_overlayer_lowered:
.L_overlay_start_2:
0x38: {  	(tag) =	ssettag $0x2  }
0x39: {  	s0 =	rddreg [dreg:$0x0];
	s2 =	stileid.u32  }
0x3a: {  	s1 =	rddreg [dreg:$0x1];
	p0 =	sne.s32 s2, $0x0  }
0x3b: {  	s3 =	rddreg [dreg:$0x2];
	[bflag:$0x3] =	sbarrier.arrive $0xFFFF;
	s2 =	simm.s32 @!p0 $0x1C01  }
0x3c: {  	[timem:s3], [sflag:s2] =	dma.local @!p0 [hbm:s0], s1  }
0x3d: {  	s0 =	simm.s32 @!p0 $0x1  }
0x3e: {  	_ =	swait.ge @!p0 [sflag:s0], s1  }
0x3f: {  	s1 =	ssub.s32 @!p0 $0x0, s1;
	[sflag:s0] =	ssyncset.done @!p0 $0x0  }
0x40: {  	[sflag:s0] =	ssyncadd.s32 @!p0 s1  }
0x41: {  	[bflag:$0x3] =	sbarrier.arrive $0xFFFF  }
0x42: {  	_ =	shalt  }

</sc_bundles>
